<compile_context>
chip_gen: v7x
topology: tpu7x:2x2x1
jax: 0.10.2.dev20260603
libtpu: 0.0.44.dev20260713+nightly
codegen_flags: <defaults>
</compile_context>

<pallas_src>
import functools

import jax
import jax.numpy as jnp
from jax import lax
from jax.experimental import pallas as pl
from jax.experimental.pallas import tpu as pltpu
from jax.experimental.pallas import tpu_sc as plsc

N = 10000
E = 320000
D = 128
L = 4
B = 256
MAXF = 16
MAXN = 128
EPS = 1e-5

NP = 10240
BLK = 1024
NWORK = 32
CK = 128
ECH = 2528
EP = ECH * CK
CPW = ECH // NWORK
RPS = NP // 16

_HI = jax.lax.Precision.HIGHEST


def _ln(pre, g, b):
    mu = jnp.mean(pre, axis=-1, keepdims=True)
    d = pre - mu
    var = jnp.mean(d * d, axis=-1, keepdims=True)
    return d * lax.rsqrt(var + EPS) * g + b



def _t0_body(h_ref, wi_ref, wn_ref, t_ref):
    h = h_ref[...]
    t_ref[0] = jnp.dot(h, wi_ref[...], precision=_HI)
    t_ref[1] = jnp.dot(h, wn_ref[...], precision=_HI)


def _t0_call(h, w_inter, w_intra):
    return pl.pallas_call(
        _t0_body,
        grid=(NP // BLK,),
        in_specs=[
            pl.BlockSpec((BLK, D), lambda i: (i, 0)),
            pl.BlockSpec((D, D), lambda i: (0, 0)),
            pl.BlockSpec((D, D), lambda i: (0, 0)),
        ],
        out_specs=pl.BlockSpec((2, BLK, D), lambda i: (0, i, 0)),
        out_shape=jax.ShapeDtypeStruct((2, NP, D), jnp.float32),
    )(h, w_inter, w_intra)


def _upd_body(u_ref, a0_ref, a1_ref, bs_ref, g_ref, b_ref, wi_ref, wn_ref, t_ref):
    pre = u_ref[...] + a0_ref[...] + a1_ref[...] + bs_ref[...]
    h = jnp.maximum(_ln(pre, g_ref[...], b_ref[...]), 0.0)
    t_ref[0] = jnp.dot(h, wi_ref[...], precision=_HI)
    t_ref[1] = jnp.dot(h, wn_ref[...], precision=_HI)


def _upd_call(u, a0, a1, bs, g, b, w_inter, w_intra):
    return pl.pallas_call(
        _upd_body,
        grid=(NP // BLK,),
        in_specs=[
            pl.BlockSpec((BLK, D), lambda i: (i, 0)),
            pl.BlockSpec((BLK, D), lambda i: (i, 0)),
            pl.BlockSpec((BLK, D), lambda i: (i, 0)),
            pl.BlockSpec((1, D), lambda i: (0, 0)),
            pl.BlockSpec((1, D), lambda i: (0, 0)),
            pl.BlockSpec((1, D), lambda i: (0, 0)),
            pl.BlockSpec((D, D), lambda i: (0, 0)),
            pl.BlockSpec((D, D), lambda i: (0, 0)),
        ],
        out_specs=pl.BlockSpec((2, BLK, D), lambda i: (0, i, 0)),
        out_shape=jax.ShapeDtypeStruct((2, NP, D), jnp.float32),
    )(u, a0, a1, bs, g, b, w_inter, w_intra)


def _updlast_body(u_ref, a0_ref, a1_ref, bs_ref, g_ref, b_ref, h_ref):
    pre = u_ref[...] + a0_ref[...] + a1_ref[...] + bs_ref[...]
    h_ref[...] = jnp.maximum(_ln(pre, g_ref[...], b_ref[...]), 0.0)


def _updlast_call(u, a0, a1, bs, g, b):
    return pl.pallas_call(
        _updlast_body,
        grid=(NP // BLK,),
        in_specs=[
            pl.BlockSpec((BLK, D), lambda i: (i, 0)),
            pl.BlockSpec((BLK, D), lambda i: (i, 0)),
            pl.BlockSpec((BLK, D), lambda i: (i, 0)),
            pl.BlockSpec((1, D), lambda i: (0, 0)),
            pl.BlockSpec((1, D), lambda i: (0, 0)),
            pl.BlockSpec((1, D), lambda i: (0, 0)),
        ],
        out_specs=pl.BlockSpec((BLK, D), lambda i: (i, 0)),
        out_shape=jax.ShapeDtypeStruct((NP, D), jnp.float32),
    )(u, a0, a1, bs, g, b)


def _off_body(bv_ref, off_ref, cnt_ref):
    b = pl.program_id(0)
    bv = bv_ref[...]
    off = jnp.sum((bv < b).astype(jnp.int32))
    cnt = jnp.sum((bv == b).astype(jnp.int32))
    off_ref[...] = jnp.full((1, 1, 128), off, jnp.int32)
    cnt_ref[...] = jnp.full((1, 1, 128), cnt, jnp.int32)


def _off_call(bv):
    return pl.pallas_call(
        _off_body,
        grid=(B,),
        in_specs=[pl.BlockSpec((NP // 128, 128), lambda i: (0, 0))],
        out_specs=[
            pl.BlockSpec((1, 1, 128), lambda i: (i, 0, 0)),
            pl.BlockSpec((1, 1, 128), lambda i: (i, 0, 0)),
        ],
        out_shape=[
            jax.ShapeDtypeStruct((B, 1, 128), jnp.int32),
            jax.ShapeDtypeStruct((B, 1, 128), jnp.int32),
        ],
    )(bv)


def _pool_body(h_ref, s_ref, off_ref, cnt_ref, fg_ref, fb_ref, wi_ref, bi_ref,
               fe_ref, fm_ref, reg_ref):
    b = pl.program_id(0)
    off = off_ref[b]
    cnt = cnt_ref[b]
    hs = h_ref[pl.ds(off, MAXN), :]
    ss = s_ref[pl.ds(off, MAXN), :]
    m = (lax.broadcasted_iota(jnp.int32, (MAXN, 1), 0) < cnt).astype(jnp.float32)
    ssm = ss * m
    fe = lax.dot_general(ssm, hs, (((0,), (0,)), ((), ())),
                         precision=_HI, preferred_element_type=jnp.float32)
    fe_ref[...] = _ln(fe, fg_ref[...], fb_ref[...])[None]
    colsum = jnp.sum(ssm, axis=0, keepdims=True)
    fm_ref[...] = (colsum > 0.0).astype(jnp.float32)[None]

    @pl.when(b == 0)
    def _():
        r = jnp.sum(jnp.abs(bi_ref[...]))
        for l in range(L):
            r += jnp.sum(jnp.abs(wi_ref[l]))
        reg_ref[...] = jnp.full((1, 128), r, jnp.float32)


def _pool_call(h4, sp, off, cnt, fg, fb, w_inter, b_inter):
    return pl.pallas_call(
        _pool_body,
        grid=(B,),
        in_specs=[
            pl.BlockSpec((NP, D), lambda i: (0, 0)),
            pl.BlockSpec((NP, MAXF), lambda i: (0, 0)),
            pl.BlockSpec(memory_space=pltpu.SMEM),
            pl.BlockSpec(memory_space=pltpu.SMEM),
            pl.BlockSpec((1, D), lambda i: (0, 0)),
            pl.BlockSpec((1, D), lambda i: (0, 0)),
            pl.BlockSpec((L, D, D), lambda i: (0, 0, 0)),
            pl.BlockSpec((L, D), lambda i: (0, 0)),
        ],
        out_specs=[
            pl.BlockSpec((1, MAXF, D), lambda i: (i, 0, 0)),
            pl.BlockSpec((1, 1, MAXF), lambda i: (i, 0, 0)),
            pl.BlockSpec((1, 128), lambda i: (0, 0)),
        ],
        out_shape=[
            jax.ShapeDtypeStruct((B, MAXF, D), jnp.float32),
            jax.ShapeDtypeStruct((B, 1, MAXF), jnp.float32),
            jax.ShapeDtypeStruct((1, 128), jnp.float32),
        ],
    )(h4, sp, off, cnt, fg, fb, w_inter, b_inter)



def _sc_agg(t2d, ed):
    mesh = plsc.VectorSubcoreMesh(core_axis_name="c", subcore_axis_name="s")

    @functools.partial(
        pl.kernel,
        mesh=mesh,
        out_type=jax.ShapeDtypeStruct((2 * NP, D), jnp.float32),
        scratch_types=[
            pltpu.VMEM((2, CK), jnp.int32),
            pltpu.VMEM((CK, D), jnp.float32),
            pltpu.VMEM_SHARED((NP, D), jnp.float32),
            pltpu.SemaphoreType.DMA,
        ],
    )
    def k(t_hbm, ed_hbm, out_hbm, ed_v, rows_v, acc, sem):
        cid = lax.axis_index("c")
        sid = lax.axis_index("s")
        wid = sid * 2 + cid
        zero = jnp.zeros((1, 16), jnp.float32)

        @pl.loop(0, CK)
        def _(r):
            @pl.loop(0, D, step=16)
            def _(c):
                rows_v[pl.ds(r, 1), pl.ds(c, 16)] = zero

        @pl.loop(0, RPS // CK)
        def _(j):
            pltpu.sync_copy(rows_v, acc.at[pl.ds(sid * RPS + j * CK, CK)])

        plsc.subcore_barrier()

        @pl.loop(0, CPW)
        def _(j):
            pltpu.sync_copy(ed_hbm.at[wid * CPW + j], ed_v)
            pltpu.async_copy(t_hbm.at[ed_v.at[0]], rows_v, sem).wait()
            pltpu.sync_copy(rows_v, acc.at[ed_v.at[1]], add=True)

        plsc.subcore_barrier()
        pltpu.sync_copy(acc.at[pl.ds(sid * RPS, RPS)],
                        out_hbm.at[pl.ds(cid * NP + sid * RPS, RPS)])

    return k(t2d, ed)



def kernel(x, edge_index, s, batch, mask, W_intra, b_intra, W_inter, b_inter,
           ln_gamma, ln_beta, frag_gamma, frag_beta):
    f32 = jnp.float32
    src = edge_index[0]
    dst = edge_index[1]
    gidx = src + NP * mask.astype(jnp.int32)
    gidx_p = jnp.concatenate([gidx, jnp.zeros((EP - E,), jnp.int32)]).reshape(ECH, 1, CK)
    dst_p = jnp.concatenate([dst, jnp.full((EP - E,), N, jnp.int32)]).reshape(ECH, 1, CK)
    ed_p = jnp.concatenate([gidx_p, dst_p], axis=1)

    x_p = jnp.pad(x, ((0, NP - N), (0, 0)))
    s_p = jnp.pad(s, ((0, NP - N), (0, 0)))
    batch_p = jnp.pad(batch, (0, NP - N), constant_values=B).reshape(NP // 128, 128)

    bsum = b_intra + b_inter

    T = _t0_call(x_p, W_inter[0], W_intra[0])
    h4 = None
    for l in range(L):
        A = _sc_agg(T.reshape(2 * NP, D), ed_p)
        a0 = A[:NP]
        a1 = A[NP:]
        u = T[1]
        bs = bsum[l].reshape(1, D)
        g = ln_gamma[l].reshape(1, D)
        be = ln_beta[l].reshape(1, D)
        if l < L - 1:
            T = _upd_call(u, a0, a1, bs, g, be, W_inter[l + 1], W_intra[l + 1])
        else:
            h4 = _updlast_call(u, a0, a1, bs, g, be)

    off3, cnt3 = _off_call(batch_p)
    off = off3[:, 0, 0]
    cnt = cnt3[:, 0, 0]

    fe, fm3, reg2 = _pool_call(h4, s_p, off, cnt,
                               frag_gamma.reshape(1, D), frag_beta.reshape(1, D),
                               W_inter, b_inter)
    frag_mask = fm3[:, 0, :]
    reg_loss = reg2[0, 0]
    return fe, frag_mask, reg_loss, h4[:N]

# --- scband reference (transcript-rebuilt; emitter-appended) ---
"""Pipeline reference for scband-base-encoder-12515534700549 (READ-ONLY COPY).

The authoritative reference and input builder live on the scoring server;
editing this copy changes nothing except your own understanding.
"""

import jax, jax.numpy as jnp
import numpy as np

N = 10000
E = 320000
D = 128
L = 4
B = 256
MAXF = 16
MAXN = 128
EPS = 1e-5


def _layer_norm(h, g, b):
    mu = jnp.mean(h, axis=-1, keepdims=True)
    var = jnp.mean((h - mu) ** 2, axis=-1, keepdims=True)
    return (h - mu) / jnp.sqrt(var + EPS) * g + b


def setup_inputs(seed: int = 0):
    key = jax.random.key(seed)
    ks = jax.random.split(key, 16)
    x = jax.random.normal(ks[0], (N, D), dtype=jnp.float32)
    edge_index = jax.random.randint(ks[1], (2, E), 0, N, dtype=jnp.int32)
    s = jax.random.uniform(ks[2], (N, MAXF), dtype=jnp.float32)
    batch = jnp.sort(jax.random.randint(ks[3], (N,), 0, B, dtype=jnp.int32))
    mask = jax.random.randint(ks[4], (E,), 0, 2, dtype=jnp.int32).astype(bool)
    W_intra = jax.random.normal(ks[5], (L, D, D), dtype=jnp.float32) * 0.05
    b_intra = jnp.zeros((L, D), dtype=jnp.float32)
    W_inter = jax.random.normal(ks[6], (L, D, D), dtype=jnp.float32) * 0.05
    b_inter = jnp.zeros((L, D), dtype=jnp.float32)
    ln_gamma = jnp.ones((L, D), dtype=jnp.float32)
    ln_beta = jnp.zeros((L, D), dtype=jnp.float32)
    frag_gamma = jnp.ones((D,), dtype=jnp.float32)
    frag_beta = jnp.zeros((D,), dtype=jnp.float32)
    return {"x": x, "edge_index": edge_index, "s": s, "batch": batch, "mask": mask,
            "W_intra": W_intra, "b_intra": b_intra, "W_inter": W_inter, "b_inter": b_inter,
            "ln_gamma": ln_gamma, "ln_beta": ln_beta, "frag_gamma": frag_gamma, "frag_beta": frag_beta}


def reference(x, edge_index, s, batch, mask, W_intra, b_intra, W_inter, b_inter,
              ln_gamma, ln_beta, frag_gamma, frag_beta):
    src = edge_index[0]
    dst = edge_index[1]
    mf = mask.astype(x.dtype)
    h = x
    for l in range(L):
        msg = h[src]
        agg_intra = jax.ops.segment_sum(msg * mf[:, None], dst, num_segments=N)
        agg_inter = jax.ops.segment_sum(msg * (1.0 - mf)[:, None], dst, num_segments=N)
        h = (h + agg_intra) @ W_intra[l] + b_intra[l] + agg_inter @ W_inter[l] + b_inter[l]
        h = _layer_norm(h, ln_gamma[l], ln_beta[l])
        h = jax.nn.relu(h)
        # dropout: eval mode (identity)
    # to_dense_batch (batch is sorted)
    counts = jnp.bincount(batch, length=B)
    offsets = jnp.concatenate([jnp.zeros((1,), counts.dtype), jnp.cumsum(counts)[:-1]])
    pos = jnp.arange(N) - offsets[batch]
    valid = pos < MAXN
    posc = jnp.minimum(pos, MAXN - 1)
    vf = valid.astype(h.dtype)[:, None]
    x_dense = jnp.zeros((B, MAXN, D), h.dtype).at[batch, posc].add(h * vf)
    s_dense = jnp.zeros((B, MAXN, MAXF), h.dtype).at[batch, posc].add(s * vf)
    frag_emb = jnp.einsum('bnf,bnd->bfd', s_dense, x_dense)
    frag_emb = _layer_norm(frag_emb, frag_gamma, frag_beta)
    frag_mask = (jnp.sum(s_dense, axis=1) > 0).astype(h.dtype)
    reg_loss = jnp.sum(jnp.abs(W_inter)) + jnp.sum(jnp.abs(b_inter))
    return frag_emb, frag_mask, reg_loss, h

if __name__ == "__main__":
    import jax
    _d = setup_inputs()
    print(jax.jit(kernel)(*tuple(_d.values())))

</pallas_src>

<mosaic_0001>
#map = affine_map<(d0, d1) -> (0, 0)>
#map1 = affine_map<(d0, d1) -> (0, 0, 0)>
module attributes {stable_mosaic.version = 14 : i64} {
  func.func @k(%arg0: i32, %arg1: i32, %arg2: memref<20480x128xf32, #tpu.memory_space<hbm>>, %arg3: memref<2528x2x128xi32, #tpu.memory_space<hbm>>, %arg4: memref<20480x128xf32, #tpu.memory_space<hbm>>, %arg5: memref<2x128xi32, #tpu.memory_space<vmem>>, %arg6: memref<128x128xf32, #tpu.memory_space<vmem>>, %arg7: memref<10240x128xf32, #tpu.memory_space<vmem_shared>>, %arg8: memref<!tpu.dma_semaphore, #tpu.memory_space<semaphore_mem>>) attributes {dimension_semantics = [#tpu.dimension_semantics<core_parallel>, #tpu.dimension_semantics<subcore_parallel>], iteration_bounds = array<i64: 2, 16>, scalar_prefetch = 0 : i64, scratch_operands = 4 : i64, tpu.core_type = #tpu.core_type<sc_vector_subcore>, window_params = [{transform_indices = #map}, {transform_indices = #map1}, {transform_indices = #map}]} {
    %mul3A = arith.constant 2 : i32
    %mul3A_0 = arith.muli %arg1, %mul3A : i32
    %add3A = arith.addi %mul3A_0, %arg0 : i32
    %broadcast_in_dim3A = arith.constant 0.000000e+00 : f32
    %broadcast_in_dim3A_1 = vector.broadcast %broadcast_in_dim3A : f32 to vector<1x16xf32>
    %scan3A = arith.constant 0 : i32
    %scan3A_2 = arith.constant 128 : i32
    %scan3A_3 = arith.addi %scan3A, %scan3A_2 : i32
    %scan3A_4 = arith.constant 1 : i32
    scf.for %scan3A_24 = %scan3A to %scan3A_3 step %scan3A_4  : i32 {
      %mul3A_25 = arith.constant 1 : i32
      %mul3A_26 = arith.muli %scan3A_24, %mul3A_25 : i32
      %add3A_27 = arith.constant 0 : i32
      %add3A_28 = arith.addi %add3A_27, %mul3A_26 : i32
      %scan3A_29 = arith.constant 0 : i32
      %scan3A_30 = arith.constant 8 : i32
      %scan3A_31 = arith.addi %scan3A_29, %scan3A_30 : i32
      %scan3A_32 = arith.constant 1 : i32
      scf.for %scan3A_34 = %scan3A_29 to %scan3A_31 step %scan3A_32  : i32 {
        %mul3A_35 = arith.constant 16 : i32
        %mul3A_36 = arith.muli %scan3A_34, %mul3A_35 : i32
        %add3A_37 = arith.constant 0 : i32
        %add3A_38 = arith.addi %add3A_37, %mul3A_36 : i32
        %swap3A = arith.index_cast %add3A_28 : i32 to index
        %swap3A_39 = arith.index_cast %add3A_38 : i32 to index
        %swap3A_40 = tpu.vector_load %arg6[%swap3A, %swap3A_39] {strides = array<i32>} : memref<128x128xf32, #tpu.memory_space<vmem>>, vector<1x16xf32>,
        %swap3A_41 = vector.shape_cast %swap3A_40 : vector<1x16xf32> to vector<1x16xf32>
        %swap3A_42 = vector.shape_cast %broadcast_in_dim3A_1 : vector<1x16xf32> to vector<1x16xf32>
        tpu.vector_store %arg6[%swap3A, %swap3A_39], %swap3A_42 {strides = array<i32>} : memref<128x128xf32, #tpu.memory_space<vmem>>, vector<1x16xf32>,
      }
      %scan3A_33 = arith.constant 8 : i32
    }
    %scan3A_5 = arith.constant 128 : i32
    %scan3A_6 = arith.constant 0 : i32
    %scan3A_7 = arith.constant 5 : i32
    %scan3A_8 = arith.addi %scan3A_6, %scan3A_7 : i32
    %scan3A_9 = arith.constant 1 : i32
    scf.for %scan3A_24 = %scan3A_6 to %scan3A_8 step %scan3A_9  : i32 {
      %mul3A_25 = arith.constant 1 : i32
      %mul3A_26 = arith.muli %scan3A_24, %mul3A_25 : i32
      %add3A_27 = arith.constant 0 : i32
      %add3A_28 = arith.addi %add3A_27, %mul3A_26 : i32
      %mul3A_29 = arith.constant 640 : i32
      %mul3A_30 = arith.muli %arg1, %mul3A_29 : i32
      %mul3A_31 = arith.constant 128 : i32
      %mul3A_32 = arith.muli %add3A_28, %mul3A_31 : i32
      %add3A_33 = arith.addi %mul3A_30, %mul3A_32 : i32
      "tpu.region"() ({
        %run_scoped3A = tpu.sem_alloc : memref<!tpu.dma_semaphore, #tpu.memory_space<semaphore_mem>>
        %dma_start3A = arith.constant 0 : i32
        %dma_start3A_34 = tpu.memref_slice %arg7[%add3A_33, %dma_start3A] : memref<10240x128xf32, #tpu.memory_space<vmem_shared>> -> memref<128x128xf32, #tpu.memory_space<vmem_shared>>
        %dma_start3A_35 = arith.constant 0 : i32
        %dma_start3A_36 = tpu.memref_slice %arg7[%add3A_33, %dma_start3A_35] : memref<10240x128xf32, #tpu.memory_space<vmem_shared>> -> memref<128x128xf32, #tpu.memory_space<vmem_shared>>
        tpu.enqueue_dma source(%arg6 : memref<128x128xf32, #tpu.memory_space<vmem>>) target(%dma_start3A_36 : memref<128x128xf32, #tpu.memory_space<vmem_shared>>) target_semaphore(%run_scoped3A : memref<!tpu.dma_semaphore, #tpu.memory_space<semaphore_mem>>)
        %dma_wait3A = arith.constant 0 : i32
        %dma_wait3A_37 = tpu.memref_slice %arg7[%add3A_33, %dma_wait3A] : memref<10240x128xf32, #tpu.memory_space<vmem_shared>> -> memref<128x128xf32, #tpu.memory_space<vmem_shared>>
        %dma_wait3A_38 = arith.constant 0 : i32
        %dma_wait3A_39 = tpu.memref_slice %arg7[%add3A_33, %dma_wait3A_38] : memref<10240x128xf32, #tpu.memory_space<vmem_shared>> -> memref<128x128xf32, #tpu.memory_space<vmem_shared>>
        tpu.wait_dma2 semaphore(%run_scoped3A : memref<!tpu.dma_semaphore, #tpu.memory_space<semaphore_mem>>) src(%arg6 : memref<128x128xf32, #tpu.memory_space<vmem>>) dst(%dma_wait3A_39 : memref<128x128xf32, #tpu.memory_space<vmem_shared>>)
        tpu.yield
      }) : () -> ()
    }
    %scan3A_10 = arith.constant 5 : i32
    %barrier3A = arith.constant 0 : index
    tpu.barrier barrier_id(%barrier3A)
    %scan3A_11 = arith.constant 0 : i32
    %scan3A_12 = arith.constant 79 : i32
    %scan3A_13 = arith.addi %scan3A_11, %scan3A_12 : i32
    %scan3A_14 = arith.constant 1 : i32
    scf.for %scan3A_24 = %scan3A_11 to %scan3A_13 step %scan3A_14  : i32 {
      %mul3A_25 = arith.constant 1 : i32
      %mul3A_26 = arith.muli %scan3A_24, %mul3A_25 : i32
      %add3A_27 = arith.constant 0 : i32
      %add3A_28 = arith.addi %add3A_27, %mul3A_26 : i32
      %mul3A_29 = arith.constant 79 : i32
      %mul3A_30 = arith.muli %add3A, %mul3A_29 : i32
      %add3A_31 = arith.addi %mul3A_30, %add3A_28 : i32
      "tpu.region"() ({
        %run_scoped3A_44 = tpu.sem_alloc : memref<!tpu.dma_semaphore, #tpu.memory_space<semaphore_mem>>
        %dma_start3A_45 = arith.constant 0 : i32
        %dma_start3A_46 = arith.constant 0 : i32
        %dma_start3A_47 = tpu.memref_slice %arg3[%add3A_31, %dma_start3A_45, %dma_start3A_46] : memref<2528x2x128xi32, #tpu.memory_space<hbm>> -> memref<1x2x128xi32, #tpu.memory_space<hbm>>
        %dma_start3A_48 = tpu.memref_squeeze %dma_start3A_47 : memref<1x2x128xi32, #tpu.memory_space<hbm>> -> memref<2x128xi32, #tpu.memory_space<hbm>>
        %dma_start3A_49 = arith.constant 0 : i32
        %dma_start3A_50 = arith.constant 0 : i32
        %dma_start3A_51 = tpu.memref_slice %arg3[%add3A_31, %dma_start3A_49, %dma_start3A_50] : memref<2528x2x128xi32, #tpu.memory_space<hbm>> -> memref<1x2x128xi32, #tpu.memory_space<hbm>>
        %dma_start3A_52 = tpu.memref_squeeze %dma_start3A_51 : memref<1x2x128xi32, #tpu.memory_space<hbm>> -> memref<2x128xi32, #tpu.memory_space<hbm>>
        tpu.enqueue_dma source(%dma_start3A_52 : memref<2x128xi32, #tpu.memory_space<hbm>>) target(%arg5 : memref<2x128xi32, #tpu.memory_space<vmem>>) target_semaphore(%run_scoped3A_44 : memref<!tpu.dma_semaphore, #tpu.memory_space<semaphore_mem>>)
        %dma_wait3A_53 = arith.constant 0 : i32
        %dma_wait3A_54 = arith.constant 0 : i32
        %dma_wait3A_55 = tpu.memref_slice %arg3[%add3A_31, %dma_wait3A_53, %dma_wait3A_54] : memref<2528x2x128xi32, #tpu.memory_space<hbm>> -> memref<1x2x128xi32, #tpu.memory_space<hbm>>
        %dma_wait3A_56 = tpu.memref_squeeze %dma_wait3A_55 : memref<1x2x128xi32, #tpu.memory_space<hbm>> -> memref<2x128xi32, #tpu.memory_space<hbm>>
        %dma_wait3A_57 = arith.constant 0 : i32
        %dma_wait3A_58 = arith.constant 0 : i32
        %dma_wait3A_59 = tpu.memref_slice %arg3[%add3A_31, %dma_wait3A_57, %dma_wait3A_58] : memref<2528x2x128xi32, #tpu.memory_space<hbm>> -> memref<1x2x128xi32, #tpu.memory_space<hbm>>
        %dma_wait3A_60 = tpu.memref_squeeze %dma_wait3A_59 : memref<1x2x128xi32, #tpu.memory_space<hbm>> -> memref<2x128xi32, #tpu.memory_space<hbm>>
        tpu.wait_dma2 semaphore(%run_scoped3A_44 : memref<!tpu.dma_semaphore, #tpu.memory_space<semaphore_mem>>) src(%dma_wait3A_60 : memref<2x128xi32, #tpu.memory_space<hbm>>) dst(%arg5 : memref<2x128xi32, #tpu.memory_space<vmem>>)
        tpu.yield
      }) : () -> ()
      %dma_start3A = arith.constant 0 : i32
      %dma_start3A_32 = arith.constant 0 : i32
      %dma_start3A_33 = tpu.memref_slice %arg5[%dma_start3A, %dma_start3A_32] : memref<2x128xi32, #tpu.memory_space<vmem>> -> memref<1x128xi32, #tpu.memory_space<vmem>>
      %dma_start3A_34 = tpu.memref_squeeze %dma_start3A_33 : memref<1x128xi32, #tpu.memory_space<vmem>> -> memref<128xi32, #tpu.memory_space<vmem>>
      %dma_start3A_35 = arith.constant 0 : i32
      %dma_start3A_36 = arith.constant 0 : i32
      %dma_start3A_37 = tpu.memref_slice %arg2[%dma_start3A_35, %dma_start3A_36] : memref<20480x128xf32, #tpu.memory_space<hbm>> -> memref<20480x128xf32, #tpu.memory_space<hbm>>
      tpu.enqueue_indirect_dma source(%dma_start3A_37 : memref<20480x128xf32, #tpu.memory_space<hbm>>) target(%arg6 : memref<128x128xf32, #tpu.memory_space<vmem>>) offsets(%dma_start3A_34 : memref<128xi32, #tpu.memory_space<vmem>>) semaphore(%arg8 : memref<!tpu.dma_semaphore, #tpu.memory_space<semaphore_mem>>)
      %dma_wait3A = arith.constant 0 : i32
      %dma_wait3A_38 = arith.constant 0 : i32
      %dma_wait3A_39 = tpu.memref_slice %arg5[%dma_wait3A, %dma_wait3A_38] : memref<2x128xi32, #tpu.memory_space<vmem>> -> memref<1x128xi32, #tpu.memory_space<vmem>>
      %dma_wait3A_40 = tpu.memref_squeeze %dma_wait3A_39 : memref<1x128xi32, #tpu.memory_space<vmem>> -> memref<128xi32, #tpu.memory_space<vmem>>
      %dma_wait3A_41 = arith.constant 0 : i32
      %dma_wait3A_42 = arith.constant 0 : i32
      %dma_wait3A_43 = tpu.memref_slice %arg2[%dma_wait3A_41, %dma_wait3A_42] : memref<20480x128xf32, #tpu.memory_space<hbm>> -> memref<20480x128xf32, #tpu.memory_space<hbm>>
      tpu.wait_indirect_dma semaphore(%arg8 : memref<!tpu.dma_semaphore, #tpu.memory_space<semaphore_mem>>) src(%dma_wait3A_43 : memref<20480x128xf32, #tpu.memory_space<hbm>>) dst(%arg6 : memref<128x128xf32, #tpu.memory_space<vmem>>)
      %run_scoped3A = arith.constant 1 : i32
      "tpu.region"() ({
        %run_scoped3A_44 = tpu.sem_alloc : memref<!tpu.dma_semaphore, #tpu.memory_space<semaphore_mem>>
        %dma_start3A_45 = arith.constant 0 : i32
        %dma_start3A_46 = tpu.memref_slice %arg5[%run_scoped3A, %dma_start3A_45] : memref<2x128xi32, #tpu.memory_space<vmem>> -> memref<1x128xi32, #tpu.memory_space<vmem>>
        %dma_start3A_47 = tpu.memref_squeeze %dma_start3A_46 : memref<1x128xi32, #tpu.memory_space<vmem>> -> memref<128xi32, #tpu.memory_space<vmem>>
        %dma_start3A_48 = arith.constant 0 : i32
        %dma_start3A_49 = arith.constant 0 : i32
        %dma_start3A_50 = tpu.memref_slice %arg7[%dma_start3A_48, %dma_start3A_49] : memref<10240x128xf32, #tpu.memory_space<vmem_shared>> -> memref<10240x128xf32, #tpu.memory_space<vmem_shared>>
        tpu.enqueue_indirect_dma source(%arg6 : memref<128x128xf32, #tpu.memory_space<vmem>>) target(%dma_start3A_50 : memref<10240x128xf32, #tpu.memory_space<vmem_shared>>) offsets(%dma_start3A_47 : memref<128xi32, #tpu.memory_space<vmem>>) semaphore(%run_scoped3A_44 : memref<!tpu.dma_semaphore, #tpu.memory_space<semaphore_mem>>) {add = true}
        %dma_wait3A_51 = arith.constant 0 : i32
        %dma_wait3A_52 = tpu.memref_slice %arg5[%run_scoped3A, %dma_wait3A_51] : memref<2x128xi32, #tpu.memory_space<vmem>> -> memref<1x128xi32, #tpu.memory_space<vmem>>
        %dma_wait3A_53 = tpu.memref_squeeze %dma_wait3A_52 : memref<1x128xi32, #tpu.memory_space<vmem>> -> memref<128xi32, #tpu.memory_space<vmem>>
        %dma_wait3A_54 = arith.constant 0 : i32
        %dma_wait3A_55 = arith.constant 0 : i32
        %dma_wait3A_56 = tpu.memref_slice %arg7[%dma_wait3A_54, %dma_wait3A_55] : memref<10240x128xf32, #tpu.memory_space<vmem_shared>> -> memref<10240x128xf32, #tpu.memory_space<vmem_shared>>
        tpu.wait_indirect_dma semaphore(%run_scoped3A_44 : memref<!tpu.dma_semaphore, #tpu.memory_space<semaphore_mem>>) src(%arg6 : memref<128x128xf32, #tpu.memory_space<vmem>>) dst(%dma_wait3A_56 : memref<10240x128xf32, #tpu.memory_space<vmem_shared>>)
        tpu.yield
      }) : () -> ()
    }
    %scan3A_15 = arith.constant 79 : i32
    %barrier3A_16 = arith.constant 0 : index
    tpu.barrier barrier_id(%barrier3A_16)
    %mul3A_17 = arith.constant 640 : i32
    %mul3A_18 = arith.muli %arg1, %mul3A_17 : i32
    %mul3A_19 = arith.constant 10240 : i32
    %mul3A_20 = arith.muli %arg0, %mul3A_19 : i32
    %mul3A_21 = arith.constant 640 : i32
    %mul3A_22 = arith.muli %arg1, %mul3A_21 : i32
    %add3A_23 = arith.addi %mul3A_20, %mul3A_22 : i32
    "tpu.region"() ({
      %run_scoped3A = tpu.sem_alloc : memref<!tpu.dma_semaphore, #tpu.memory_space<semaphore_mem>>
      %dma_start3A = arith.constant 0 : i32
      %dma_start3A_24 = tpu.memref_slice %arg4[%add3A_23, %dma_start3A] : memref<20480x128xf32, #tpu.memory_space<hbm>> -> memref<640x128xf32, #tpu.memory_space<hbm>>
      %dma_start3A_25 = arith.constant 0 : i32
      %dma_start3A_26 = tpu.memref_slice %arg7[%mul3A_18, %dma_start3A_25] : memref<10240x128xf32, #tpu.memory_space<vmem_shared>> -> memref<640x128xf32, #tpu.memory_space<vmem_shared>>
      tpu.enqueue_dma source(%dma_start3A_26 : memref<640x128xf32, #tpu.memory_space<vmem_shared>>) target(%dma_start3A_24 : memref<640x128xf32, #tpu.memory_space<hbm>>) target_semaphore(%run_scoped3A : memref<!tpu.dma_semaphore, #tpu.memory_space<semaphore_mem>>)
      %dma_wait3A = arith.constant 0 : i32
      %dma_wait3A_27 = tpu.memref_slice %arg4[%add3A_23, %dma_wait3A] : memref<20480x128xf32, #tpu.memory_space<hbm>> -> memref<640x128xf32, #tpu.memory_space<hbm>>
      %dma_wait3A_28 = arith.constant 0 : i32
      %dma_wait3A_29 = tpu.memref_slice %arg7[%mul3A_18, %dma_wait3A_28] : memref<10240x128xf32, #tpu.memory_space<vmem_shared>> -> memref<640x128xf32, #tpu.memory_space<vmem_shared>>
      tpu.wait_dma2 semaphore(%run_scoped3A : memref<!tpu.dma_semaphore, #tpu.memory_space<semaphore_mem>>) src(%dma_wait3A_29 : memref<640x128xf32, #tpu.memory_space<vmem_shared>>) dst(%dma_wait3A_27 : memref<640x128xf32, #tpu.memory_space<hbm>>)
      tpu.yield
    }) : () -> ()
    return
  }
}

#map = affine_map<(d0, d1) -> (0, 0)>
#map1 = affine_map<(d0, d1) -> (0, 0, 0)>
module attributes {stable_mosaic.version = 14 : i64} {
  func.func @k(%arg0: i32, %arg1: i32, %arg2: memref<20480x128xf32, #tpu.memory_space<hbm>>, %arg3: memref<2528x2x128xi32, #tpu.memory_space<hbm>>, %arg4: memref<20480x128xf32, #tpu.memory_space<hbm>>, %arg5: memref<2x128xi32, #tpu.memory_space<vmem>>, %arg6: memref<128x128xf32, #tpu.memory_space<vmem>>, %arg7: memref<10240x128xf32, #tpu.memory_space<vmem_shared>>, %arg8: memref<!tpu.dma_semaphore, #tpu.memory_space<semaphore_mem>>) attributes {dimension_semantics = [#tpu.dimension_semantics<core_parallel>, #tpu.dimension_semantics<subcore_parallel>], iteration_bounds = array<i64: 2, 16>, scalar_prefetch = 0 : i64, scratch_operands = 4 : i64, tpu.core_type = #tpu.core_type<sc_vector_subcore>, window_params = [{transform_indices = #map}, {transform_indices = #map1}, {transform_indices = #map}]} {
    %mul3A = arith.constant 2 : i32
    %mul3A_0 = arith.muli %arg1, %mul3A : i32
    %add3A = arith.addi %mul3A_0, %arg0 : i32
    %broadcast_in_dim3A = arith.constant 0.000000e+00 : f32
    %broadcast_in_dim3A_1 = vector.broadcast %broadcast_in_dim3A : f32 to vector<1x16xf32>
    %scan3A = arith.constant 0 : i32
    %scan3A_2 = arith.constant 128 : i32
    %scan3A_3 = arith.addi %scan3A, %scan3A_2 : i32
    %scan3A_4 = arith.constant 1 : i32
    scf.for %scan3A_24 = %scan3A to %scan3A_3 step %scan3A_4  : i32 {
      %mul3A_25 = arith.constant 1 : i32
      %mul3A_26 = arith.muli %scan3A_24, %mul3A_25 : i32
      %add3A_27 = arith.constant 0 : i32
      %add3A_28 = arith.addi %add3A_27, %mul3A_26 : i32
      %scan3A_29 = arith.constant 0 : i32
      %scan3A_30 = arith.constant 8 : i32
      %scan3A_31 = arith.addi %scan3A_29, %scan3A_30 : i32
      %scan3A_32 = arith.constant 1 : i32
      scf.for %scan3A_34 = %scan3A_29 to %scan3A_31 step %scan3A_32  : i32 {
        %mul3A_35 = arith.constant 16 : i32
        %mul3A_36 = arith.muli %scan3A_34, %mul3A_35 : i32
        %add3A_37 = arith.constant 0 : i32
        %add3A_38 = arith.addi %add3A_37, %mul3A_36 : i32
        %swap3A = arith.index_cast %add3A_28 : i32 to index
        %swap3A_39 = arith.index_cast %add3A_38 : i32 to index
        %swap3A_40 = tpu.vector_load %arg6[%swap3A, %swap3A_39] {strides = array<i32>} : memref<128x128xf32, #tpu.memory_space<vmem>>, vector<1x16xf32>,
        %swap3A_41 = vector.shape_cast %swap3A_40 : vector<1x16xf32> to vector<1x16xf32>
        %swap3A_42 = vector.shape_cast %broadcast_in_dim3A_1 : vector<1x16xf32> to vector<1x16xf32>
        tpu.vector_store %arg6[%swap3A, %swap3A_39], %swap3A_42 {strides = array<i32>} : memref<128x128xf32, #tpu.memory_space<vmem>>, vector<1x16xf32>,
      }
      %scan3A_33 = arith.constant 8 : i32
    }
    %scan3A_5 = arith.constant 128 : i32
    %scan3A_6 = arith.constant 0 : i32
    %scan3A_7 = arith.constant 5 : i32
    %scan3A_8 = arith.addi %scan3A_6, %scan3A_7 : i32
    %scan3A_9 = arith.constant 1 : i32
    scf.for %scan3A_24 = %scan3A_6 to %scan3A_8 step %scan3A_9  : i32 {
      %mul3A_25 = arith.constant 1 : i32
      %mul3A_26 = arith.muli %scan3A_24, %mul3A_25 : i32
      %add3A_27 = arith.constant 0 : i32
      %add3A_28 = arith.addi %add3A_27, %mul3A_26 : i32
      %mul3A_29 = arith.constant 640 : i32
      %mul3A_30 = arith.muli %arg1, %mul3A_29 : i32
      %mul3A_31 = arith.constant 128 : i32
      %mul3A_32 = arith.muli %add3A_28, %mul3A_31 : i32
      %add3A_33 = arith.addi %mul3A_30, %mul3A_32 : i32
      "tpu.region"() ({
        %run_scoped3A = tpu.sem_alloc : memref<!tpu.dma_semaphore, #tpu.memory_space<semaphore_mem>>
        %dma_start3A = arith.constant 0 : i32
        %dma_start3A_34 = tpu.memref_slice %arg7[%add3A_33, %dma_start3A] : memref<10240x128xf32, #tpu.memory_space<vmem_shared>> -> memref<128x128xf32, #tpu.memory_space<vmem_shared>>
        %dma_start3A_35 = arith.constant 0 : i32
        %dma_start3A_36 = tpu.memref_slice %arg7[%add3A_33, %dma_start3A_35] : memref<10240x128xf32, #tpu.memory_space<vmem_shared>> -> memref<128x128xf32, #tpu.memory_space<vmem_shared>>
        tpu.enqueue_dma source(%arg6 : memref<128x128xf32, #tpu.memory_space<vmem>>) target(%dma_start3A_36 : memref<128x128xf32, #tpu.memory_space<vmem_shared>>) target_semaphore(%run_scoped3A : memref<!tpu.dma_semaphore, #tpu.memory_space<semaphore_mem>>)
        %dma_wait3A = arith.constant 0 : i32
        %dma_wait3A_37 = tpu.memref_slice %arg7[%add3A_33, %dma_wait3A] : memref<10240x128xf32, #tpu.memory_space<vmem_shared>> -> memref<128x128xf32, #tpu.memory_space<vmem_shared>>
        %dma_wait3A_38 = arith.constant 0 : i32
        %dma_wait3A_39 = tpu.memref_slice %arg7[%add3A_33, %dma_wait3A_38] : memref<10240x128xf32, #tpu.memory_space<vmem_shared>> -> memref<128x128xf32, #tpu.memory_space<vmem_shared>>
        tpu.wait_dma2 semaphore(%run_scoped3A : memref<!tpu.dma_semaphore, #tpu.memory_space<semaphore_mem>>) src(%arg6 : memref<128x128xf32, #tpu.memory_space<vmem>>) dst(%dma_wait3A_39 : memref<128x128xf32, #tpu.memory_space<vmem_shared>>)
        tpu.yield
      }) : () -> ()
    }
    %scan3A_10 = arith.constant 5 : i32
    %barrier3A = arith.constant 0 : index
    tpu.barrier barrier_id(%barrier3A)
    %scan3A_11 = arith.constant 0 : i32
    %scan3A_12 = arith.constant 79 : i32
    %scan3A_13 = arith.addi %scan3A_11, %scan3A_12 : i32
    %scan3A_14 = arith.constant 1 : i32
    scf.for %scan3A_24 = %scan3A_11 to %scan3A_13 step %scan3A_14  : i32 {
      %mul3A_25 = arith.constant 1 : i32
      %mul3A_26 = arith.muli %scan3A_24, %mul3A_25 : i32
      %add3A_27 = arith.constant 0 : i32
      %add3A_28 = arith.addi %add3A_27, %mul3A_26 : i32
      %mul3A_29 = arith.constant 79 : i32
      %mul3A_30 = arith.muli %add3A, %mul3A_29 : i32
      %add3A_31 = arith.addi %mul3A_30, %add3A_28 : i32
      "tpu.region"() ({
        %run_scoped3A_44 = tpu.sem_alloc : memref<!tpu.dma_semaphore, #tpu.memory_space<semaphore_mem>>
        %dma_start3A_45 = arith.constant 0 : i32
        %dma_start3A_46 = arith.constant 0 : i32
        %dma_start3A_47 = tpu.memref_slice %arg3[%add3A_31, %dma_start3A_45, %dma_start3A_46] : memref<2528x2x128xi32, #tpu.memory_space<hbm>> -> memref<1x2x128xi32, #tpu.memory_space<hbm>>
        %dma_start3A_48 = tpu.memref_squeeze %dma_start3A_47 : memref<1x2x128xi32, #tpu.memory_space<hbm>> -> memref<2x128xi32, #tpu.memory_space<hbm>>
        %dma_start3A_49 = arith.constant 0 : i32
        %dma_start3A_50 = arith.constant 0 : i32
        %dma_start3A_51 = tpu.memref_slice %arg3[%add3A_31, %dma_start3A_49, %dma_start3A_50] : memref<2528x2x128xi32, #tpu.memory_space<hbm>> -> memref<1x2x128xi32, #tpu.memory_space<hbm>>
        %dma_start3A_52 = tpu.memref_squeeze %dma_start3A_51 : memref<1x2x128xi32, #tpu.memory_space<hbm>> -> memref<2x128xi32, #tpu.memory_space<hbm>>
        tpu.enqueue_dma source(%dma_start3A_52 : memref<2x128xi32, #tpu.memory_space<hbm>>) target(%arg5 : memref<2x128xi32, #tpu.memory_space<vmem>>) target_semaphore(%run_scoped3A_44 : memref<!tpu.dma_semaphore, #tpu.memory_space<semaphore_mem>>)
        %dma_wait3A_53 = arith.constant 0 : i32
        %dma_wait3A_54 = arith.constant 0 : i32
        %dma_wait3A_55 = tpu.memref_slice %arg3[%add3A_31, %dma_wait3A_53, %dma_wait3A_54] : memref<2528x2x128xi32, #tpu.memory_space<hbm>> -> memref<1x2x128xi32, #tpu.memory_space<hbm>>
        %dma_wait3A_56 = tpu.memref_squeeze %dma_wait3A_55 : memref<1x2x128xi32, #tpu.memory_space<hbm>> -> memref<2x128xi32, #tpu.memory_space<hbm>>
        %dma_wait3A_57 = arith.constant 0 : i32
        %dma_wait3A_58 = arith.constant 0 : i32
        %dma_wait3A_59 = tpu.memref_slice %arg3[%add3A_31, %dma_wait3A_57, %dma_wait3A_58] : memref<2528x2x128xi32, #tpu.memory_space<hbm>> -> memref<1x2x128xi32, #tpu.memory_space<hbm>>
        %dma_wait3A_60 = tpu.memref_squeeze %dma_wait3A_59 : memref<1x2x128xi32, #tpu.memory_space<hbm>> -> memref<2x128xi32, #tpu.memory_space<hbm>>
        tpu.wait_dma2 semaphore(%run_scoped3A_44 : memref<!tpu.dma_semaphore, #tpu.memory_space<semaphore_mem>>) src(%dma_wait3A_60 : memref<2x128xi32, #tpu.memory_space<hbm>>) dst(%arg5 : memref<2x128xi32, #tpu.memory_space<vmem>>)
        tpu.yield
      }) : () -> ()
      %dma_start3A = arith.constant 0 : i32
      %dma_start3A_32 = arith.constant 0 : i32
      %dma_start3A_33 = tpu.memref_slice %arg5[%dma_start3A, %dma_start3A_32] : memref<2x128xi32, #tpu.memory_space<vmem>> -> memref<1x128xi32, #tpu.memory_space<vmem>>
      %dma_start3A_34 = tpu.memref_squeeze %dma_start3A_33 : memref<1x128xi32, #tpu.memory_space<vmem>> -> memref<128xi32, #tpu.memory_space<vmem>>
      %dma_start3A_35 = arith.constant 0 : i32
      %dma_start3A_36 = arith.constant 0 : i32
      %dma_start3A_37 = tpu.memref_slice %arg2[%dma_start3A_35, %dma_start3A_36] : memref<20480x128xf32, #tpu.memory_space<hbm>> -> memref<20480x128xf32, #tpu.memory_space<hbm>>
      tpu.enqueue_indirect_dma source(%dma_start3A_37 : memref<20480x128xf32, #tpu.memory_space<hbm>>) target(%arg6 : memref<128x128xf32, #tpu.memory_space<vmem>>) offsets(%dma_start3A_34 : memref<128xi32, #tpu.memory_space<vmem>>) semaphore(%arg8 : memref<!tpu.dma_semaphore, #tpu.memory_space<semaphore_mem>>)
      %dma_wait3A = arith.constant 0 : i32
      %dma_wait3A_38 = arith.constant 0 : i32
      %dma_wait3A_39 = tpu.memref_slice %arg5[%dma_wait3A, %dma_wait3A_38] : memref<2x128xi32, #tpu.memory_space<vmem>> -> memref<1x128xi32, #tpu.memory_space<vmem>>
      %dma_wait3A_40 = tpu.memref_squeeze %dma_wait3A_39 : memref<1x128xi32, #tpu.memory_space<vmem>> -> memref<128xi32, #tpu.memory_space<vmem>>
      %dma_wait3A_41 = arith.constant 0 : i32
      %dma_wait3A_42 = arith.constant 0 : i32
      %dma_wait3A_43 = tpu.memref_slice %arg2[%dma_wait3A_41, %dma_wait3A_42] : memref<20480x128xf32, #tpu.memory_space<hbm>> -> memref<20480x128xf32, #tpu.memory_space<hbm>>
      tpu.wait_indirect_dma semaphore(%arg8 : memref<!tpu.dma_semaphore, #tpu.memory_space<semaphore_mem>>) src(%dma_wait3A_43 : memref<20480x128xf32, #tpu.memory_space<hbm>>) dst(%arg6 : memref<128x128xf32, #tpu.memory_space<vmem>>)
      %run_scoped3A = arith.constant 1 : i32
      "tpu.region"() ({
        %run_scoped3A_44 = tpu.sem_alloc : memref<!tpu.dma_semaphore, #tpu.memory_space<semaphore_mem>>
        %dma_start3A_45 = arith.constant 0 : i32
        %dma_start3A_46 = tpu.memref_slice %arg5[%run_scoped3A, %dma_start3A_45] : memref<2x128xi32, #tpu.memory_space<vmem>> -> memref<1x128xi32, #tpu.memory_space<vmem>>
        %dma_start3A_47 = tpu.memref_squeeze %dma_start3A_46 : memref<1x128xi32, #tpu.memory_space<vmem>> -> memref<128xi32, #tpu.memory_space<vmem>>
        %dma_start3A_48 = arith.constant 0 : i32
        %dma_start3A_49 = arith.constant 0 : i32
        %dma_start3A_50 = tpu.memref_slice %arg7[%dma_start3A_48, %dma_start3A_49] : memref<10240x128xf32, #tpu.memory_space<vmem_shared>> -> memref<10240x128xf32, #tpu.memory_space<vmem_shared>>
        tpu.enqueue_indirect_dma source(%arg6 : memref<128x128xf32, #tpu.memory_space<vmem>>) target(%dma_start3A_50 : memref<10240x128xf32, #tpu.memory_space<vmem_shared>>) offsets(%dma_start3A_47 : memref<128xi32, #tpu.memory_space<vmem>>) semaphore(%run_scoped3A_44 : memref<!tpu.dma_semaphore, #tpu.memory_space<semaphore_mem>>) {add = true}
        %dma_wait3A_51 = arith.constant 0 : i32
        %dma_wait3A_52 = tpu.memref_slice %arg5[%run_scoped3A, %dma_wait3A_51] : memref<2x128xi32, #tpu.memory_space<vmem>> -> memref<1x128xi32, #tpu.memory_space<vmem>>
        %dma_wait3A_53 = tpu.memref_squeeze %dma_wait3A_52 : memref<1x128xi32, #tpu.memory_space<vmem>> -> memref<128xi32, #tpu.memory_space<vmem>>
        %dma_wait3A_54 = arith.constant 0 : i32
        %dma_wait3A_55 = arith.constant 0 : i32
        %dma_wait3A_56 = tpu.memref_slice %arg7[%dma_wait3A_54, %dma_wait3A_55] : memref<10240x128xf32, #tpu.memory_space<vmem_shared>> -> memref<10240x128xf32, #tpu.memory_space<vmem_shared>>
        tpu.wait_indirect_dma semaphore(%run_scoped3A_44 : memref<!tpu.dma_semaphore, #tpu.memory_space<semaphore_mem>>) src(%arg6 : memref<128x128xf32, #tpu.memory_space<vmem>>) dst(%dma_wait3A_56 : memref<10240x128xf32, #tpu.memory_space<vmem_shared>>)
        tpu.yield
      }) : () -> ()
    }
    %scan3A_15 = arith.constant 79 : i32
    %barrier3A_16 = arith.constant 0 : index
    tpu.barrier barrier_id(%barrier3A_16)
    %mul3A_17 = arith.constant 640 : i32
    %mul3A_18 = arith.muli %arg1, %mul3A_17 : i32
    %mul3A_19 = arith.constant 10240 : i32
    %mul3A_20 = arith.muli %arg0, %mul3A_19 : i32
    %mul3A_21 = arith.constant 640 : i32
    %mul3A_22 = arith.muli %arg1, %mul3A_21 : i32
    %add3A_23 = arith.addi %mul3A_20, %mul3A_22 : i32
    "tpu.region"() ({
      %run_scoped3A = tpu.sem_alloc : memref<!tpu.dma_semaphore, #tpu.memory_space<semaphore_mem>>
      %dma_start3A = arith.constant 0 : i32
      %dma_start3A_24 = tpu.memref_slice %arg4[%add3A_23, %dma_start3A] : memref<20480x128xf32, #tpu.memory_space<hbm>> -> memref<640x128xf32, #tpu.memory_space<hbm>>
      %dma_start3A_25 = arith.constant 0 : i32
      %dma_start3A_26 = tpu.memref_slice %arg7[%mul3A_18, %dma_start3A_25] : memref<10240x128xf32, #tpu.memory_space<vmem_shared>> -> memref<640x128xf32, #tpu.memory_space<vmem_shared>>
      tpu.enqueue_dma source(%dma_start3A_26 : memref<640x128xf32, #tpu.memory_space<vmem_shared>>) target(%dma_start3A_24 : memref<640x128xf32, #tpu.memory_space<hbm>>) target_semaphore(%run_scoped3A : memref<!tpu.dma_semaphore, #tpu.memory_space<semaphore_mem>>)
      %dma_wait3A = arith.constant 0 : i32
      %dma_wait3A_27 = tpu.memref_slice %arg4[%add3A_23, %dma_wait3A] : memref<20480x128xf32, #tpu.memory_space<hbm>> -> memref<640x128xf32, #tpu.memory_space<hbm>>
      %dma_wait3A_28 = arith.constant 0 : i32
      %dma_wait3A_29 = tpu.memref_slice %arg7[%mul3A_18, %dma_wait3A_28] : memref<10240x128xf32, #tpu.memory_space<vmem_shared>> -> memref<640x128xf32, #tpu.memory_space<vmem_shared>>
      tpu.wait_dma2 semaphore(%run_scoped3A : memref<!tpu.dma_semaphore, #tpu.memory_space<semaphore_mem>>) src(%dma_wait3A_29 : memref<640x128xf32, #tpu.memory_space<vmem_shared>>) dst(%dma_wait3A_27 : memref<640x128xf32, #tpu.memory_space<hbm>>)
      tpu.yield
    }) : () -> ()
    return
  }
}

#map = affine_map<(d0, d1) -> (0, 0)>
#map1 = affine_map<(d0, d1) -> (0, 0, 0)>
module attributes {stable_mosaic.version = 14 : i64} {
  func.func @k(%arg0: i32, %arg1: i32, %arg2: memref<20480x128xf32, #tpu.memory_space<hbm>>, %arg3: memref<2528x2x128xi32, #tpu.memory_space<hbm>>, %arg4: memref<20480x128xf32, #tpu.memory_space<hbm>>, %arg5: memref<2x128xi32, #tpu.memory_space<vmem>>, %arg6: memref<128x128xf32, #tpu.memory_space<vmem>>, %arg7: memref<10240x128xf32, #tpu.memory_space<vmem_shared>>, %arg8: memref<!tpu.dma_semaphore, #tpu.memory_space<semaphore_mem>>) attributes {dimension_semantics = [#tpu.dimension_semantics<core_parallel>, #tpu.dimension_semantics<subcore_parallel>], iteration_bounds = array<i64: 2, 16>, scalar_prefetch = 0 : i64, scratch_operands = 4 : i64, tpu.core_type = #tpu.core_type<sc_vector_subcore>, window_params = [{transform_indices = #map}, {transform_indices = #map1}, {transform_indices = #map}]} {
    %mul3A = arith.constant 2 : i32
    %mul3A_0 = arith.muli %arg1, %mul3A : i32
    %add3A = arith.addi %mul3A_0, %arg0 : i32
    %broadcast_in_dim3A = arith.constant 0.000000e+00 : f32
    %broadcast_in_dim3A_1 = vector.broadcast %broadcast_in_dim3A : f32 to vector<1x16xf32>
    %scan3A = arith.constant 0 : i32
    %scan3A_2 = arith.constant 128 : i32
    %scan3A_3 = arith.addi %scan3A, %scan3A_2 : i32
    %scan3A_4 = arith.constant 1 : i32
    scf.for %scan3A_24 = %scan3A to %scan3A_3 step %scan3A_4  : i32 {
      %mul3A_25 = arith.constant 1 : i32
      %mul3A_26 = arith.muli %scan3A_24, %mul3A_25 : i32
      %add3A_27 = arith.constant 0 : i32
      %add3A_28 = arith.addi %add3A_27, %mul3A_26 : i32
      %scan3A_29 = arith.constant 0 : i32
      %scan3A_30 = arith.constant 8 : i32
      %scan3A_31 = arith.addi %scan3A_29, %scan3A_30 : i32
      %scan3A_32 = arith.constant 1 : i32
      scf.for %scan3A_34 = %scan3A_29 to %scan3A_31 step %scan3A_32  : i32 {
        %mul3A_35 = arith.constant 16 : i32
        %mul3A_36 = arith.muli %scan3A_34, %mul3A_35 : i32
        %add3A_37 = arith.constant 0 : i32
        %add3A_38 = arith.addi %add3A_37, %mul3A_36 : i32
        %swap3A = arith.index_cast %add3A_28 : i32 to index
        %swap3A_39 = arith.index_cast %add3A_38 : i32 to index
        %swap3A_40 = tpu.vector_load %arg6[%swap3A, %swap3A_39] {strides = array<i32>} : memref<128x128xf32, #tpu.memory_space<vmem>>, vector<1x16xf32>,
        %swap3A_41 = vector.shape_cast %swap3A_40 : vector<1x16xf32> to vector<1x16xf32>
        %swap3A_42 = vector.shape_cast %broadcast_in_dim3A_1 : vector<1x16xf32> to vector<1x16xf32>
        tpu.vector_store %arg6[%swap3A, %swap3A_39], %swap3A_42 {strides = array<i32>} : memref<128x128xf32, #tpu.memory_space<vmem>>, vector<1x16xf32>,
      }
      %scan3A_33 = arith.constant 8 : i32
    }
    %scan3A_5 = arith.constant 128 : i32
    %scan3A_6 = arith.constant 0 : i32
    %scan3A_7 = arith.constant 5 : i32
    %scan3A_8 = arith.addi %scan3A_6, %scan3A_7 : i32
    %scan3A_9 = arith.constant 1 : i32
    scf.for %scan3A_24 = %scan3A_6 to %scan3A_8 step %scan3A_9  : i32 {
      %mul3A_25 = arith.constant 1 : i32
      %mul3A_26 = arith.muli %scan3A_24, %mul3A_25 : i32
      %add3A_27 = arith.constant 0 : i32
      %add3A_28 = arith.addi %add3A_27, %mul3A_26 : i32
      %mul3A_29 = arith.constant 640 : i32
      %mul3A_30 = arith.muli %arg1, %mul3A_29 : i32
      %mul3A_31 = arith.constant 128 : i32
      %mul3A_32 = arith.muli %add3A_28, %mul3A_31 : i32
      %add3A_33 = arith.addi %mul3A_30, %mul3A_32 : i32
      "tpu.region"() ({
        %run_scoped3A = tpu.sem_alloc : memref<!tpu.dma_semaphore, #tpu.memory_space<semaphore_mem>>
        %dma_start3A = arith.constant 0 : i32
        %dma_start3A_34 = tpu.memref_slice %arg7[%add3A_33, %dma_start3A] : memref<10240x128xf32, #tpu.memory_space<vmem_shared>> -> memref<128x128xf32, #tpu.memory_space<vmem_shared>>
        %dma_start3A_35 = arith.constant 0 : i32
        %dma_start3A_36 = tpu.memref_slice %arg7[%add3A_33, %dma_start3A_35] : memref<10240x128xf32, #tpu.memory_space<vmem_shared>> -> memref<128x128xf32, #tpu.memory_space<vmem_shared>>
        tpu.enqueue_dma source(%arg6 : memref<128x128xf32, #tpu.memory_space<vmem>>) target(%dma_start3A_36 : memref<128x128xf32, #tpu.memory_space<vmem_shared>>) target_semaphore(%run_scoped3A : memref<!tpu.dma_semaphore, #tpu.memory_space<semaphore_mem>>)
        %dma_wait3A = arith.constant 0 : i32
        %dma_wait3A_37 = tpu.memref_slice %arg7[%add3A_33, %dma_wait3A] : memref<10240x128xf32, #tpu.memory_space<vmem_shared>> -> memref<128x128xf32, #tpu.memory_space<vmem_shared>>
        %dma_wait3A_38 = arith.constant 0 : i32
        %dma_wait3A_39 = tpu.memref_slice %arg7[%add3A_33, %dma_wait3A_38] : memref<10240x128xf32, #tpu.memory_space<vmem_shared>> -> memref<128x128xf32, #tpu.memory_space<vmem_shared>>
        tpu.wait_dma2 semaphore(%run_scoped3A : memref<!tpu.dma_semaphore, #tpu.memory_space<semaphore_mem>>) src(%arg6 : memref<128x128xf32, #tpu.memory_space<vmem>>) dst(%dma_wait3A_39 : memref<128x128xf32, #tpu.memory_space<vmem_shared>>)
        tpu.yield
      }) : () -> ()
    }
    %scan3A_10 = arith.constant 5 : i32
    %barrier3A = arith.constant 0 : index
    tpu.barrier barrier_id(%barrier3A)
    %scan3A_11 = arith.constant 0 : i32
    %scan3A_12 = arith.constant 79 : i32
    %scan3A_13 = arith.addi %scan3A_11, %scan3A_12 : i32
    %scan3A_14 = arith.constant 1 : i32
    scf.for %scan3A_24 = %scan3A_11 to %scan3A_13 step %scan3A_14  : i32 {
      %mul3A_25 = arith.constant 1 : i32
      %mul3A_26 = arith.muli %scan3A_24, %mul3A_25 : i32
      %add3A_27 = arith.constant 0 : i32
      %add3A_28 = arith.addi %add3A_27, %mul3A_26 : i32
      %mul3A_29 = arith.constant 79 : i32
      %mul3A_30 = arith.muli %add3A, %mul3A_29 : i32
      %add3A_31 = arith.addi %mul3A_30, %add3A_28 : i32
      "tpu.region"() ({
        %run_scoped3A_44 = tpu.sem_alloc : memref<!tpu.dma_semaphore, #tpu.memory_space<semaphore_mem>>
        %dma_start3A_45 = arith.constant 0 : i32
        %dma_start3A_46 = arith.constant 0 : i32
        %dma_start3A_47 = tpu.memref_slice %arg3[%add3A_31, %dma_start3A_45, %dma_start3A_46] : memref<2528x2x128xi32, #tpu.memory_space<hbm>> -> memref<1x2x128xi32, #tpu.memory_space<hbm>>
        %dma_start3A_48 = tpu.memref_squeeze %dma_start3A_47 : memref<1x2x128xi32, #tpu.memory_space<hbm>> -> memref<2x128xi32, #tpu.memory_space<hbm>>
        %dma_start3A_49 = arith.constant 0 : i32
        %dma_start3A_50 = arith.constant 0 : i32
        %dma_start3A_51 = tpu.memref_slice %arg3[%add3A_31, %dma_start3A_49, %dma_start3A_50] : memref<2528x2x128xi32, #tpu.memory_space<hbm>> -> memref<1x2x128xi32, #tpu.memory_space<hbm>>
        %dma_start3A_52 = tpu.memref_squeeze %dma_start3A_51 : memref<1x2x128xi32, #tpu.memory_space<hbm>> -> memref<2x128xi32, #tpu.memory_space<hbm>>
        tpu.enqueue_dma source(%dma_start3A_52 : memref<2x128xi32, #tpu.memory_space<hbm>>) target(%arg5 : memref<2x128xi32, #tpu.memory_space<vmem>>) target_semaphore(%run_scoped3A_44 : memref<!tpu.dma_semaphore, #tpu.memory_space<semaphore_mem>>)
        %dma_wait3A_53 = arith.constant 0 : i32
        %dma_wait3A_54 = arith.constant 0 : i32
        %dma_wait3A_55 = tpu.memref_slice %arg3[%add3A_31, %dma_wait3A_53, %dma_wait3A_54] : memref<2528x2x128xi32, #tpu.memory_space<hbm>> -> memref<1x2x128xi32, #tpu.memory_space<hbm>>
        %dma_wait3A_56 = tpu.memref_squeeze %dma_wait3A_55 : memref<1x2x128xi32, #tpu.memory_space<hbm>> -> memref<2x128xi32, #tpu.memory_space<hbm>>
        %dma_wait3A_57 = arith.constant 0 : i32
        %dma_wait3A_58 = arith.constant 0 : i32
        %dma_wait3A_59 = tpu.memref_slice %arg3[%add3A_31, %dma_wait3A_57, %dma_wait3A_58] : memref<2528x2x128xi32, #tpu.memory_space<hbm>> -> memref<1x2x128xi32, #tpu.memory_space<hbm>>
        %dma_wait3A_60 = tpu.memref_squeeze %dma_wait3A_59 : memref<1x2x128xi32, #tpu.memory_space<hbm>> -> memref<2x128xi32, #tpu.memory_space<hbm>>
        tpu.wait_dma2 semaphore(%run_scoped3A_44 : memref<!tpu.dma_semaphore, #tpu.memory_space<semaphore_mem>>) src(%dma_wait3A_60 : memref<2x128xi32, #tpu.memory_space<hbm>>) dst(%arg5 : memref<2x128xi32, #tpu.memory_space<vmem>>)
        tpu.yield
      }) : () -> ()
      %dma_start3A = arith.constant 0 : i32
      %dma_start3A_32 = arith.constant 0 : i32
      %dma_start3A_33 = tpu.memref_slice %arg5[%dma_start3A, %dma_start3A_32] : memref<2x128xi32, #tpu.memory_space<vmem>> -> memref<1x128xi32, #tpu.memory_space<vmem>>
      %dma_start3A_34 = tpu.memref_squeeze %dma_start3A_33 : memref<1x128xi32, #tpu.memory_space<vmem>> -> memref<128xi32, #tpu.memory_space<vmem>>
      %dma_start3A_35 = arith.constant 0 : i32
      %dma_start3A_36 = arith.constant 0 : i32
      %dma_start3A_37 = tpu.memref_slice %arg2[%dma_start3A_35, %dma_start3A_36] : memref<20480x128xf32, #tpu.memory_space<hbm>> -> memref<20480x128xf32, #tpu.memory_space<hbm>>
      tpu.enqueue_indirect_dma source(%dma_start3A_37 : memref<20480x128xf32, #tpu.memory_space<hbm>>) target(%arg6 : memref<128x128xf32, #tpu.memory_space<vmem>>) offsets(%dma_start3A_34 : memref<128xi32, #tpu.memory_space<vmem>>) semaphore(%arg8 : memref<!tpu.dma_semaphore, #tpu.memory_space<semaphore_mem>>)
      %dma_wait3A = arith.constant 0 : i32
      %dma_wait3A_38 = arith.constant 0 : i32
      %dma_wait3A_39 = tpu.memref_slice %arg5[%dma_wait3A, %dma_wait3A_38] : memref<2x128xi32, #tpu.memory_space<vmem>> -> memref<1x128xi32, #tpu.memory_space<vmem>>
      %dma_wait3A_40 = tpu.memref_squeeze %dma_wait3A_39 : memref<1x128xi32, #tpu.memory_space<vmem>> -> memref<128xi32, #tpu.memory_space<vmem>>
      %dma_wait3A_41 = arith.constant 0 : i32
      %dma_wait3A_42 = arith.constant 0 : i32
      %dma_wait3A_43 = tpu.memref_slice %arg2[%dma_wait3A_41, %dma_wait3A_42] : memref<20480x128xf32, #tpu.memory_space<hbm>> -> memref<20480x128xf32, #tpu.memory_space<hbm>>
      tpu.wait_indirect_dma semaphore(%arg8 : memref<!tpu.dma_semaphore, #tpu.memory_space<semaphore_mem>>) src(%dma_wait3A_43 : memref<20480x128xf32, #tpu.memory_space<hbm>>) dst(%arg6 : memref<128x128xf32, #tpu.memory_space<vmem>>)
      %run_scoped3A = arith.constant 1 : i32
      "tpu.region"() ({
        %run_scoped3A_44 = tpu.sem_alloc : memref<!tpu.dma_semaphore, #tpu.memory_space<semaphore_mem>>
        %dma_start3A_45 = arith.constant 0 : i32
        %dma_start3A_46 = tpu.memref_slice %arg5[%run_scoped3A, %dma_start3A_45] : memref<2x128xi32, #tpu.memory_space<vmem>> -> memref<1x128xi32, #tpu.memory_space<vmem>>
        %dma_start3A_47 = tpu.memref_squeeze %dma_start3A_46 : memref<1x128xi32, #tpu.memory_space<vmem>> -> memref<128xi32, #tpu.memory_space<vmem>>
        %dma_start3A_48 = arith.constant 0 : i32
        %dma_start3A_49 = arith.constant 0 : i32
        %dma_start3A_50 = tpu.memref_slice %arg7[%dma_start3A_48, %dma_start3A_49] : memref<10240x128xf32, #tpu.memory_space<vmem_shared>> -> memref<10240x128xf32, #tpu.memory_space<vmem_shared>>
        tpu.enqueue_indirect_dma source(%arg6 : memref<128x128xf32, #tpu.memory_space<vmem>>) target(%dma_start3A_50 : memref<10240x128xf32, #tpu.memory_space<vmem_shared>>) offsets(%dma_start3A_47 : memref<128xi32, #tpu.memory_space<vmem>>) semaphore(%run_scoped3A_44 : memref<!tpu.dma_semaphore, #tpu.memory_space<semaphore_mem>>) {add = true}
        %dma_wait3A_51 = arith.constant 0 : i32
        %dma_wait3A_52 = tpu.memref_slice %arg5[%run_scoped3A, %dma_wait3A_51] : memref<2x128xi32, #tpu.memory_space<vmem>> -> memref<1x128xi32, #tpu.memory_space<vmem>>
        %dma_wait3A_53 = tpu.memref_squeeze %dma_wait3A_52 : memref<1x128xi32, #tpu.memory_space<vmem>> -> memref<128xi32, #tpu.memory_space<vmem>>
        %dma_wait3A_54 = arith.constant 0 : i32
        %dma_wait3A_55 = arith.constant 0 : i32
        %dma_wait3A_56 = tpu.memref_slice %arg7[%dma_wait3A_54, %dma_wait3A_55] : memref<10240x128xf32, #tpu.memory_space<vmem_shared>> -> memref<10240x128xf32, #tpu.memory_space<vmem_shared>>
        tpu.wait_indirect_dma semaphore(%run_scoped3A_44 : memref<!tpu.dma_semaphore, #tpu.memory_space<semaphore_mem>>) src(%arg6 : memref<128x128xf32, #tpu.memory_space<vmem>>) dst(%dma_wait3A_56 : memref<10240x128xf32, #tpu.memory_space<vmem_shared>>)
        tpu.yield
      }) : () -> ()
    }
    %scan3A_15 = arith.constant 79 : i32
    %barrier3A_16 = arith.constant 0 : index
    tpu.barrier barrier_id(%barrier3A_16)
    %mul3A_17 = arith.constant 640 : i32
    %mul3A_18 = arith.muli %arg1, %mul3A_17 : i32
    %mul3A_19 = arith.constant 10240 : i32
    %mul3A_20 = arith.muli %arg0, %mul3A_19 : i32
    %mul3A_21 = arith.constant 640 : i32
    %mul3A_22 = arith.muli %arg1, %mul3A_21 : i32
    %add3A_23 = arith.addi %mul3A_20, %mul3A_22 : i32
    "tpu.region"() ({
      %run_scoped3A = tpu.sem_alloc : memref<!tpu.dma_semaphore, #tpu.memory_space<semaphore_mem>>
      %dma_start3A = arith.constant 0 : i32
      %dma_start3A_24 = tpu.memref_slice %arg4[%add3A_23, %dma_start3A] : memref<20480x128xf32, #tpu.memory_space<hbm>> -> memref<640x128xf32, #tpu.memory_space<hbm>>
      %dma_start3A_25 = arith.constant 0 : i32
      %dma_start3A_26 = tpu.memref_slice %arg7[%mul3A_18, %dma_start3A_25] : memref<10240x128xf32, #tpu.memory_space<vmem_shared>> -> memref<640x128xf32, #tpu.memory_space<vmem_shared>>
      tpu.enqueue_dma source(%dma_start3A_26 : memref<640x128xf32, #tpu.memory_space<vmem_shared>>) target(%dma_start3A_24 : memref<640x128xf32, #tpu.memory_space<hbm>>) target_semaphore(%run_scoped3A : memref<!tpu.dma_semaphore, #tpu.memory_space<semaphore_mem>>)
      %dma_wait3A = arith.constant 0 : i32
      %dma_wait3A_27 = tpu.memref_slice %arg4[%add3A_23, %dma_wait3A] : memref<20480x128xf32, #tpu.memory_space<hbm>> -> memref<640x128xf32, #tpu.memory_space<hbm>>
      %dma_wait3A_28 = arith.constant 0 : i32
      %dma_wait3A_29 = tpu.memref_slice %arg7[%mul3A_18, %dma_wait3A_28] : memref<10240x128xf32, #tpu.memory_space<vmem_shared>> -> memref<640x128xf32, #tpu.memory_space<vmem_shared>>
      tpu.wait_dma2 semaphore(%run_scoped3A : memref<!tpu.dma_semaphore, #tpu.memory_space<semaphore_mem>>) src(%dma_wait3A_29 : memref<640x128xf32, #tpu.memory_space<vmem_shared>>) dst(%dma_wait3A_27 : memref<640x128xf32, #tpu.memory_space<hbm>>)
      tpu.yield
    }) : () -> ()
    return
  }
}

#map = affine_map<(d0, d1) -> (0, 0)>
#map1 = affine_map<(d0, d1) -> (0, 0, 0)>
module attributes {stable_mosaic.version = 14 : i64} {
  func.func @k(%arg0: i32, %arg1: i32, %arg2: memref<20480x128xf32, #tpu.memory_space<hbm>>, %arg3: memref<2528x2x128xi32, #tpu.memory_space<hbm>>, %arg4: memref<20480x128xf32, #tpu.memory_space<hbm>>, %arg5: memref<2x128xi32, #tpu.memory_space<vmem>>, %arg6: memref<128x128xf32, #tpu.memory_space<vmem>>, %arg7: memref<10240x128xf32, #tpu.memory_space<vmem_shared>>, %arg8: memref<!tpu.dma_semaphore, #tpu.memory_space<semaphore_mem>>) attributes {dimension_semantics = [#tpu.dimension_semantics<core_parallel>, #tpu.dimension_semantics<subcore_parallel>], iteration_bounds = array<i64: 2, 16>, scalar_prefetch = 0 : i64, scratch_operands = 4 : i64, tpu.core_type = #tpu.core_type<sc_vector_subcore>, window_params = [{transform_indices = #map}, {transform_indices = #map1}, {transform_indices = #map}]} {
    %mul3A = arith.constant 2 : i32
    %mul3A_0 = arith.muli %arg1, %mul3A : i32
    %add3A = arith.addi %mul3A_0, %arg0 : i32
    %broadcast_in_dim3A = arith.constant 0.000000e+00 : f32
    %broadcast_in_dim3A_1 = vector.broadcast %broadcast_in_dim3A : f32 to vector<1x16xf32>
    %scan3A = arith.constant 0 : i32
    %scan3A_2 = arith.constant 128 : i32
    %scan3A_3 = arith.addi %scan3A, %scan3A_2 : i32
    %scan3A_4 = arith.constant 1 : i32
    scf.for %scan3A_24 = %scan3A to %scan3A_3 step %scan3A_4  : i32 {
      %mul3A_25 = arith.constant 1 : i32
      %mul3A_26 = arith.muli %scan3A_24, %mul3A_25 : i32
      %add3A_27 = arith.constant 0 : i32
      %add3A_28 = arith.addi %add3A_27, %mul3A_26 : i32
      %scan3A_29 = arith.constant 0 : i32
      %scan3A_30 = arith.constant 8 : i32
      %scan3A_31 = arith.addi %scan3A_29, %scan3A_30 : i32
      %scan3A_32 = arith.constant 1 : i32
      scf.for %scan3A_34 = %scan3A_29 to %scan3A_31 step %scan3A_32  : i32 {
        %mul3A_35 = arith.constant 16 : i32
        %mul3A_36 = arith.muli %scan3A_34, %mul3A_35 : i32
        %add3A_37 = arith.constant 0 : i32
        %add3A_38 = arith.addi %add3A_37, %mul3A_36 : i32
        %swap3A = arith.index_cast %add3A_28 : i32 to index
        %swap3A_39 = arith.index_cast %add3A_38 : i32 to index
        %swap3A_40 = tpu.vector_load %arg6[%swap3A, %swap3A_39] {strides = array<i32>} : memref<128x128xf32, #tpu.memory_space<vmem>>, vector<1x16xf32>,
        %swap3A_41 = vector.shape_cast %swap3A_40 : vector<1x16xf32> to vector<1x16xf32>
        %swap3A_42 = vector.shape_cast %broadcast_in_dim3A_1 : vector<1x16xf32> to vector<1x16xf32>
        tpu.vector_store %arg6[%swap3A, %swap3A_39], %swap3A_42 {strides = array<i32>} : memref<128x128xf32, #tpu.memory_space<vmem>>, vector<1x16xf32>,
      }
      %scan3A_33 = arith.constant 8 : i32
    }
    %scan3A_5 = arith.constant 128 : i32
    %scan3A_6 = arith.constant 0 : i32
    %scan3A_7 = arith.constant 5 : i32
    %scan3A_8 = arith.addi %scan3A_6, %scan3A_7 : i32
    %scan3A_9 = arith.constant 1 : i32
    scf.for %scan3A_24 = %scan3A_6 to %scan3A_8 step %scan3A_9  : i32 {
      %mul3A_25 = arith.constant 1 : i32
      %mul3A_26 = arith.muli %scan3A_24, %mul3A_25 : i32
      %add3A_27 = arith.constant 0 : i32
      %add3A_28 = arith.addi %add3A_27, %mul3A_26 : i32
      %mul3A_29 = arith.constant 640 : i32
      %mul3A_30 = arith.muli %arg1, %mul3A_29 : i32
      %mul3A_31 = arith.constant 128 : i32
      %mul3A_32 = arith.muli %add3A_28, %mul3A_31 : i32
      %add3A_33 = arith.addi %mul3A_30, %mul3A_32 : i32
      "tpu.region"() ({
        %run_scoped3A = tpu.sem_alloc : memref<!tpu.dma_semaphore, #tpu.memory_space<semaphore_mem>>
        %dma_start3A = arith.constant 0 : i32
        %dma_start3A_34 = tpu.memref_slice %arg7[%add3A_33, %dma_start3A] : memref<10240x128xf32, #tpu.memory_space<vmem_shared>> -> memref<128x128xf32, #tpu.memory_space<vmem_shared>>
        %dma_start3A_35 = arith.constant 0 : i32
        %dma_start3A_36 = tpu.memref_slice %arg7[%add3A_33, %dma_start3A_35] : memref<10240x128xf32, #tpu.memory_space<vmem_shared>> -> memref<128x128xf32, #tpu.memory_space<vmem_shared>>
        tpu.enqueue_dma source(%arg6 : memref<128x128xf32, #tpu.memory_space<vmem>>) target(%dma_start3A_36 : memref<128x128xf32, #tpu.memory_space<vmem_shared>>) target_semaphore(%run_scoped3A : memref<!tpu.dma_semaphore, #tpu.memory_space<semaphore_mem>>)
        %dma_wait3A = arith.constant 0 : i32
        %dma_wait3A_37 = tpu.memref_slice %arg7[%add3A_33, %dma_wait3A] : memref<10240x128xf32, #tpu.memory_space<vmem_shared>> -> memref<128x128xf32, #tpu.memory_space<vmem_shared>>
        %dma_wait3A_38 = arith.constant 0 : i32
        %dma_wait3A_39 = tpu.memref_slice %arg7[%add3A_33, %dma_wait3A_38] : memref<10240x128xf32, #tpu.memory_space<vmem_shared>> -> memref<128x128xf32, #tpu.memory_space<vmem_shared>>
        tpu.wait_dma2 semaphore(%run_scoped3A : memref<!tpu.dma_semaphore, #tpu.memory_space<semaphore_mem>>) src(%arg6 : memref<128x128xf32, #tpu.memory_space<vmem>>) dst(%dma_wait3A_39 : memref<128x128xf32, #tpu.memory_space<vmem_shared>>)
        tpu.yield
      }) : () -> ()
    }
    %scan3A_10 = arith.constant 5 : i32
    %barrier3A = arith.constant 0 : index
    tpu.barrier barrier_id(%barrier3A)
    %scan3A_11 = arith.constant 0 : i32
    %scan3A_12 = arith.constant 79 : i32
    %scan3A_13 = arith.addi %scan3A_11, %scan3A_12 : i32
    %scan3A_14 = arith.constant 1 : i32
    scf.for %scan3A_24 = %scan3A_11 to %scan3A_13 step %scan3A_14  : i32 {
      %mul3A_25 = arith.constant 1 : i32
      %mul3A_26 = arith.muli %scan3A_24, %mul3A_25 : i32
      %add3A_27 = arith.constant 0 : i32
      %add3A_28 = arith.addi %add3A_27, %mul3A_26 : i32
      %mul3A_29 = arith.constant 79 : i32
      %mul3A_30 = arith.muli %add3A, %mul3A_29 : i32
      %add3A_31 = arith.addi %mul3A_30, %add3A_28 : i32
      "tpu.region"() ({
        %run_scoped3A_44 = tpu.sem_alloc : memref<!tpu.dma_semaphore, #tpu.memory_space<semaphore_mem>>
        %dma_start3A_45 = arith.constant 0 : i32
        %dma_start3A_46 = arith.constant 0 : i32
        %dma_start3A_47 = tpu.memref_slice %arg3[%add3A_31, %dma_start3A_45, %dma_start3A_46] : memref<2528x2x128xi32, #tpu.memory_space<hbm>> -> memref<1x2x128xi32, #tpu.memory_space<hbm>>
        %dma_start3A_48 = tpu.memref_squeeze %dma_start3A_47 : memref<1x2x128xi32, #tpu.memory_space<hbm>> -> memref<2x128xi32, #tpu.memory_space<hbm>>
        %dma_start3A_49 = arith.constant 0 : i32
        %dma_start3A_50 = arith.constant 0 : i32
        %dma_start3A_51 = tpu.memref_slice %arg3[%add3A_31, %dma_start3A_49, %dma_start3A_50] : memref<2528x2x128xi32, #tpu.memory_space<hbm>> -> memref<1x2x128xi32, #tpu.memory_space<hbm>>
        %dma_start3A_52 = tpu.memref_squeeze %dma_start3A_51 : memref<1x2x128xi32, #tpu.memory_space<hbm>> -> memref<2x128xi32, #tpu.memory_space<hbm>>
        tpu.enqueue_dma source(%dma_start3A_52 : memref<2x128xi32, #tpu.memory_space<hbm>>) target(%arg5 : memref<2x128xi32, #tpu.memory_space<vmem>>) target_semaphore(%run_scoped3A_44 : memref<!tpu.dma_semaphore, #tpu.memory_space<semaphore_mem>>)
        %dma_wait3A_53 = arith.constant 0 : i32
        %dma_wait3A_54 = arith.constant 0 : i32
        %dma_wait3A_55 = tpu.memref_slice %arg3[%add3A_31, %dma_wait3A_53, %dma_wait3A_54] : memref<2528x2x128xi32, #tpu.memory_space<hbm>> -> memref<1x2x128xi32, #tpu.memory_space<hbm>>
        %dma_wait3A_56 = tpu.memref_squeeze %dma_wait3A_55 : memref<1x2x128xi32, #tpu.memory_space<hbm>> -> memref<2x128xi32, #tpu.memory_space<hbm>>
        %dma_wait3A_57 = arith.constant 0 : i32
        %dma_wait3A_58 = arith.constant 0 : i32
        %dma_wait3A_59 = tpu.memref_slice %arg3[%add3A_31, %dma_wait3A_57, %dma_wait3A_58] : memref<2528x2x128xi32, #tpu.memory_space<hbm>> -> memref<1x2x128xi32, #tpu.memory_space<hbm>>
        %dma_wait3A_60 = tpu.memref_squeeze %dma_wait3A_59 : memref<1x2x128xi32, #tpu.memory_space<hbm>> -> memref<2x128xi32, #tpu.memory_space<hbm>>
        tpu.wait_dma2 semaphore(%run_scoped3A_44 : memref<!tpu.dma_semaphore, #tpu.memory_space<semaphore_mem>>) src(%dma_wait3A_60 : memref<2x128xi32, #tpu.memory_space<hbm>>) dst(%arg5 : memref<2x128xi32, #tpu.memory_space<vmem>>)
        tpu.yield
      }) : () -> ()
      %dma_start3A = arith.constant 0 : i32
      %dma_start3A_32 = arith.constant 0 : i32
      %dma_start3A_33 = tpu.memref_slice %arg5[%dma_start3A, %dma_start3A_32] : memref<2x128xi32, #tpu.memory_space<vmem>> -> memref<1x128xi32, #tpu.memory_space<vmem>>
      %dma_start3A_34 = tpu.memref_squeeze %dma_start3A_33 : memref<1x128xi32, #tpu.memory_space<vmem>> -> memref<128xi32, #tpu.memory_space<vmem>>
      %dma_start3A_35 = arith.constant 0 : i32
      %dma_start3A_36 = arith.constant 0 : i32
      %dma_start3A_37 = tpu.memref_slice %arg2[%dma_start3A_35, %dma_start3A_36] : memref<20480x128xf32, #tpu.memory_space<hbm>> -> memref<20480x128xf32, #tpu.memory_space<hbm>>
      tpu.enqueue_indirect_dma source(%dma_start3A_37 : memref<20480x128xf32, #tpu.memory_space<hbm>>) target(%arg6 : memref<128x128xf32, #tpu.memory_space<vmem>>) offsets(%dma_start3A_34 : memref<128xi32, #tpu.memory_space<vmem>>) semaphore(%arg8 : memref<!tpu.dma_semaphore, #tpu.memory_space<semaphore_mem>>)
      %dma_wait3A = arith.constant 0 : i32
      %dma_wait3A_38 = arith.constant 0 : i32
      %dma_wait3A_39 = tpu.memref_slice %arg5[%dma_wait3A, %dma_wait3A_38] : memref<2x128xi32, #tpu.memory_space<vmem>> -> memref<1x128xi32, #tpu.memory_space<vmem>>
      %dma_wait3A_40 = tpu.memref_squeeze %dma_wait3A_39 : memref<1x128xi32, #tpu.memory_space<vmem>> -> memref<128xi32, #tpu.memory_space<vmem>>
      %dma_wait3A_41 = arith.constant 0 : i32
      %dma_wait3A_42 = arith.constant 0 : i32
      %dma_wait3A_43 = tpu.memref_slice %arg2[%dma_wait3A_41, %dma_wait3A_42] : memref<20480x128xf32, #tpu.memory_space<hbm>> -> memref<20480x128xf32, #tpu.memory_space<hbm>>
      tpu.wait_indirect_dma semaphore(%arg8 : memref<!tpu.dma_semaphore, #tpu.memory_space<semaphore_mem>>) src(%dma_wait3A_43 : memref<20480x128xf32, #tpu.memory_space<hbm>>) dst(%arg6 : memref<128x128xf32, #tpu.memory_space<vmem>>)
      %run_scoped3A = arith.constant 1 : i32
      "tpu.region"() ({
        %run_scoped3A_44 = tpu.sem_alloc : memref<!tpu.dma_semaphore, #tpu.memory_space<semaphore_mem>>
        %dma_start3A_45 = arith.constant 0 : i32
        %dma_start3A_46 = tpu.memref_slice %arg5[%run_scoped3A, %dma_start3A_45] : memref<2x128xi32, #tpu.memory_space<vmem>> -> memref<1x128xi32, #tpu.memory_space<vmem>>
        %dma_start3A_47 = tpu.memref_squeeze %dma_start3A_46 : memref<1x128xi32, #tpu.memory_space<vmem>> -> memref<128xi32, #tpu.memory_space<vmem>>
        %dma_start3A_48 = arith.constant 0 : i32
        %dma_start3A_49 = arith.constant 0 : i32
        %dma_start3A_50 = tpu.memref_slice %arg7[%dma_start3A_48, %dma_start3A_49] : memref<10240x128xf32, #tpu.memory_space<vmem_shared>> -> memref<10240x128xf32, #tpu.memory_space<vmem_shared>>
        tpu.enqueue_indirect_dma source(%arg6 : memref<128x128xf32, #tpu.memory_space<vmem>>) target(%dma_start3A_50 : memref<10240x128xf32, #tpu.memory_space<vmem_shared>>) offsets(%dma_start3A_47 : memref<128xi32, #tpu.memory_space<vmem>>) semaphore(%run_scoped3A_44 : memref<!tpu.dma_semaphore, #tpu.memory_space<semaphore_mem>>) {add = true}
        %dma_wait3A_51 = arith.constant 0 : i32
        %dma_wait3A_52 = tpu.memref_slice %arg5[%run_scoped3A, %dma_wait3A_51] : memref<2x128xi32, #tpu.memory_space<vmem>> -> memref<1x128xi32, #tpu.memory_space<vmem>>
        %dma_wait3A_53 = tpu.memref_squeeze %dma_wait3A_52 : memref<1x128xi32, #tpu.memory_space<vmem>> -> memref<128xi32, #tpu.memory_space<vmem>>
        %dma_wait3A_54 = arith.constant 0 : i32
        %dma_wait3A_55 = arith.constant 0 : i32
        %dma_wait3A_56 = tpu.memref_slice %arg7[%dma_wait3A_54, %dma_wait3A_55] : memref<10240x128xf32, #tpu.memory_space<vmem_shared>> -> memref<10240x128xf32, #tpu.memory_space<vmem_shared>>
        tpu.wait_indirect_dma semaphore(%run_scoped3A_44 : memref<!tpu.dma_semaphore, #tpu.memory_space<semaphore_mem>>) src(%arg6 : memref<128x128xf32, #tpu.memory_space<vmem>>) dst(%dma_wait3A_56 : memref<10240x128xf32, #tpu.memory_space<vmem_shared>>)
        tpu.yield
      }) : () -> ()
    }
    %scan3A_15 = arith.constant 79 : i32
    %barrier3A_16 = arith.constant 0 : index
    tpu.barrier barrier_id(%barrier3A_16)
    %mul3A_17 = arith.constant 640 : i32
    %mul3A_18 = arith.muli %arg1, %mul3A_17 : i32
    %mul3A_19 = arith.constant 10240 : i32
    %mul3A_20 = arith.muli %arg0, %mul3A_19 : i32
    %mul3A_21 = arith.constant 640 : i32
    %mul3A_22 = arith.muli %arg1, %mul3A_21 : i32
    %add3A_23 = arith.addi %mul3A_20, %mul3A_22 : i32
    "tpu.region"() ({
      %run_scoped3A = tpu.sem_alloc : memref<!tpu.dma_semaphore, #tpu.memory_space<semaphore_mem>>
      %dma_start3A = arith.constant 0 : i32
      %dma_start3A_24 = tpu.memref_slice %arg4[%add3A_23, %dma_start3A] : memref<20480x128xf32, #tpu.memory_space<hbm>> -> memref<640x128xf32, #tpu.memory_space<hbm>>
      %dma_start3A_25 = arith.constant 0 : i32
      %dma_start3A_26 = tpu.memref_slice %arg7[%mul3A_18, %dma_start3A_25] : memref<10240x128xf32, #tpu.memory_space<vmem_shared>> -> memref<640x128xf32, #tpu.memory_space<vmem_shared>>
      tpu.enqueue_dma source(%dma_start3A_26 : memref<640x128xf32, #tpu.memory_space<vmem_shared>>) target(%dma_start3A_24 : memref<640x128xf32, #tpu.memory_space<hbm>>) target_semaphore(%run_scoped3A : memref<!tpu.dma_semaphore, #tpu.memory_space<semaphore_mem>>)
      %dma_wait3A = arith.constant 0 : i32
      %dma_wait3A_27 = tpu.memref_slice %arg4[%add3A_23, %dma_wait3A] : memref<20480x128xf32, #tpu.memory_space<hbm>> -> memref<640x128xf32, #tpu.memory_space<hbm>>
      %dma_wait3A_28 = arith.constant 0 : i32
      %dma_wait3A_29 = tpu.memref_slice %arg7[%mul3A_18, %dma_wait3A_28] : memref<10240x128xf32, #tpu.memory_space<vmem_shared>> -> memref<640x128xf32, #tpu.memory_space<vmem_shared>>
      tpu.wait_dma2 semaphore(%run_scoped3A : memref<!tpu.dma_semaphore, #tpu.memory_space<semaphore_mem>>) src(%dma_wait3A_29 : memref<640x128xf32, #tpu.memory_space<vmem_shared>>) dst(%dma_wait3A_27 : memref<640x128xf32, #tpu.memory_space<hbm>>)
      tpu.yield
    }) : () -> ()
    return
  }
}

module attributes {stable_mosaic.version = 14 : i64} {
  func.func @_t0_body(%arg0: i32, %arg1: memref<1024x128xf32, #tpu.memory_space<vmem>>, %arg2: memref<128x128xf32, #tpu.memory_space<vmem>>, %arg3: memref<128x128xf32, #tpu.memory_space<vmem>>, %arg4: memref<2x1024x128xf32, #tpu.memory_space<vmem>>) attributes {dimension_semantics = [#tpu.dimension_semantics<arbitrary>], iteration_bounds = array<i64: 10>, scalar_prefetch = 0 : i64, scratch_operands = 0 : i64, tpu.core_type = #tpu.core_type<tc>, window_params = [{transform_indices = @transform_0, window_bounds = array<i64: 1024, 128>}, {pipeline_mode = #tpu.pipeline_mode<synchronous>, transform_indices = @transform_1, window_bounds = array<i64: 128, 128>}, {pipeline_mode = #tpu.pipeline_mode<synchronous>, transform_indices = @transform_2, window_bounds = array<i64: 128, 128>}, {transform_indices = @transform_3, window_bounds = array<i64: 2, 1024, 128>}]} {
    %get3A = arith.constant 0 : index
    %get3A_0 = arith.constant 0 : index
    %get3A_1 = vector.load %arg1[%get3A, %get3A_0] : memref<1024x128xf32, #tpu.memory_space<vmem>>, vector<1024x128xf32>
    %get3A_2 = arith.constant 0 : index
    %get3A_3 = arith.constant 0 : index
    %get3A_4 = vector.load %arg2[%get3A_2, %get3A_3] : memref<128x128xf32, #tpu.memory_space<vmem>>, vector<128x128xf32>
    %dot_general3A = arith.constant dense<0.000000e+00> : vector<1024x128xf32>
    %dot_general3A_5 = tpu.matmul %get3A_1, %get3A_4, %dot_general3A {dimension_numbers = #tpu.dot_dimension_numbers<[1], [0], [0], [1], [0, 0, 1, 1], [], []>, precision = #tpu.contract_precision<fp32>, transpose_lhs_hint = false} : vector<1024x128xf32>, vector<128x128xf32>, vector<1024x128xf32> -> vector<1024x128xf32>
    %swap3A = arith.constant 0 : index
    %swap3A_6 = arith.constant 0 : index
    %swap3A_7 = arith.constant 0 : index
    %swap3A_8 = vector.load %arg4[%swap3A, %swap3A_6, %swap3A_7] : memref<2x1024x128xf32, #tpu.memory_space<vmem>>, vector<1x1024x128xf32>
    %swap3A_9 = vector.shape_cast %swap3A_8 : vector<1x1024x128xf32> to vector<1024x128xf32>
    %swap3A_10 = vector.shape_cast %dot_general3A_5 : vector<1024x128xf32> to vector<1x1024x128xf32>
    tpu.vector_store %arg4[%swap3A, %swap3A_6, %swap3A_7], %swap3A_10 {strides = array<i32>} : memref<2x1024x128xf32, #tpu.memory_space<vmem>>, vector<1x1024x128xf32>,
    %get3A_11 = arith.constant 0 : index
    %get3A_12 = arith.constant 0 : index
    %get3A_13 = vector.load %arg3[%get3A_11, %get3A_12] : memref<128x128xf32, #tpu.memory_space<vmem>>, vector<128x128xf32>
    %dot_general3A_14 = arith.constant dense<0.000000e+00> : vector<1024x128xf32>
    %dot_general3A_15 = tpu.matmul %get3A_1, %get3A_13, %dot_general3A_14 {dimension_numbers = #tpu.dot_dimension_numbers<[1], [0], [0], [1], [0, 0, 1, 1], [], []>, precision = #tpu.contract_precision<fp32>, transpose_lhs_hint = false} : vector<1024x128xf32>, vector<128x128xf32>, vector<1024x128xf32> -> vector<1024x128xf32>
    %swap3A_16 = arith.constant 1 : index
    %swap3A_17 = arith.constant 0 : index
    %swap3A_18 = arith.constant 0 : index
    %swap3A_19 = vector.load %arg4[%swap3A_16, %swap3A_17, %swap3A_18] : memref<2x1024x128xf32, #tpu.memory_space<vmem>>, vector<1x1024x128xf32>
    %swap3A_20 = vector.shape_cast %swap3A_19 : vector<1x1024x128xf32> to vector<1024x128xf32>
    %swap3A_21 = vector.shape_cast %dot_general3A_15 : vector<1024x128xf32> to vector<1x1024x128xf32>
    tpu.vector_store %arg4[%swap3A_16, %swap3A_17, %swap3A_18], %swap3A_21 {strides = array<i32>} : memref<2x1024x128xf32, #tpu.memory_space<vmem>>, vector<1x1024x128xf32>,
    return
  }
  func.func @transform_0(%arg0: i32) -> (i32, i32) {
    %c0_i32 = arith.constant 0 : i32
    %c0_i32_0 = arith.constant 0 : i32
    return %arg0, %c0_i32 : i32, i32
  }
  func.func @transform_1(%arg0: i32) -> (i32, i32) {
    %c0_i32 = arith.constant 0 : i32
    %c0_i32_0 = arith.constant 0 : i32
    %c0_i32_1 = arith.constant 0 : i32
    return %c0_i32, %c0_i32_0 : i32, i32
  }
  func.func @transform_2(%arg0: i32) -> (i32, i32) {
    %c0_i32 = arith.constant 0 : i32
    %c0_i32_0 = arith.constant 0 : i32
    %c0_i32_1 = arith.constant 0 : i32
    return %c0_i32, %c0_i32_0 : i32, i32
  }
  func.func @transform_3(%arg0: i32) -> (i32, i32, i32) {
    %c0_i32 = arith.constant 0 : i32
    %c0_i32_0 = arith.constant 0 : i32
    %c0_i32_1 = arith.constant 0 : i32
    return %c0_i32, %arg0, %c0_i32_0 : i32, i32, i32
  }
}

module attributes {stable_mosaic.version = 14 : i64} {
  func.func @_upd_body(%arg0: i32, %arg1: memref<1024x128xf32, #tpu.memory_space<vmem>>, %arg2: memref<1024x128xf32, #tpu.memory_space<vmem>>, %arg3: memref<1024x128xf32, #tpu.memory_space<vmem>>, %arg4: memref<1x128xf32, #tpu.memory_space<vmem>>, %arg5: memref<1x128xf32, #tpu.memory_space<vmem>>, %arg6: memref<1x128xf32, #tpu.memory_space<vmem>>, %arg7: memref<128x128xf32, #tpu.memory_space<vmem>>, %arg8: memref<128x128xf32, #tpu.memory_space<vmem>>, %arg9: memref<2x1024x128xf32, #tpu.memory_space<vmem>>) attributes {dimension_semantics = [#tpu.dimension_semantics<arbitrary>], iteration_bounds = array<i64: 10>, scalar_prefetch = 0 : i64, scratch_operands = 0 : i64, tpu.core_type = #tpu.core_type<tc>, window_params = [{transform_indices = @transform_0, window_bounds = array<i64: 1024, 128>}, {transform_indices = @transform_1, window_bounds = array<i64: 1024, 128>}, {transform_indices = @transform_2, window_bounds = array<i64: 1024, 128>}, {pipeline_mode = #tpu.pipeline_mode<synchronous>, transform_indices = @transform_3, window_bounds = array<i64: 1, 128>}, {pipeline_mode = #tpu.pipeline_mode<synchronous>, transform_indices = @transform_4, window_bounds = array<i64: 1, 128>}, {pipeline_mode = #tpu.pipeline_mode<synchronous>, transform_indices = @transform_5, window_bounds = array<i64: 1, 128>}, {pipeline_mode = #tpu.pipeline_mode<synchronous>, transform_indices = @transform_6, window_bounds = array<i64: 128, 128>}, {pipeline_mode = #tpu.pipeline_mode<synchronous>, transform_indices = @transform_7, window_bounds = array<i64: 128, 128>}, {transform_indices = @transform_8, window_bounds = array<i64: 2, 1024, 128>}]} {
    %get3A = arith.constant 0 : index
    %get3A_0 = arith.constant 0 : index
    %get3A_1 = vector.load %arg1[%get3A, %get3A_0] : memref<1024x128xf32, #tpu.memory_space<vmem>>, vector<1024x128xf32>
    %get3A_2 = arith.constant 0 : index
    %get3A_3 = arith.constant 0 : index
    %get3A_4 = vector.load %arg2[%get3A_2, %get3A_3] : memref<1024x128xf32, #tpu.memory_space<vmem>>, vector<1024x128xf32>
    %add3A = arith.addf %get3A_1, %get3A_4 : vector<1024x128xf32>
    %get3A_5 = arith.constant 0 : index
    %get3A_6 = arith.constant 0 : index
    %get3A_7 = vector.load %arg3[%get3A_5, %get3A_6] : memref<1024x128xf32, #tpu.memory_space<vmem>>, vector<1024x128xf32>
    %add3A_8 = arith.addf %add3A, %get3A_7 : vector<1024x128xf32>
    %get3A_9 = arith.constant 0 : index
    %get3A_10 = arith.constant 0 : index
    %get3A_11 = vector.load %arg4[%get3A_9, %get3A_10] : memref<1x128xf32, #tpu.memory_space<vmem>>, vector<1x128xf32>
    %add3A_12 = vector.broadcast %get3A_11 : vector<1x128xf32> to vector<1024x128xf32>
    %add3A_13 = arith.addf %add3A_8, %add3A_12 : vector<1024x128xf32>
    %get3A_14 = arith.constant 0 : index
    %get3A_15 = arith.constant 0 : index
    %get3A_16 = vector.load %arg5[%get3A_14, %get3A_15] : memref<1x128xf32, #tpu.memory_space<vmem>>, vector<1x128xf32>
    %get3A_17 = arith.constant 0 : index
    %get3A_18 = arith.constant 0 : index
    %get3A_19 = vector.load %arg6[%get3A_17, %get3A_18] : memref<1x128xf32, #tpu.memory_space<vmem>>, vector<1x128xf32>
    %reduce_sum3A = arith.constant dense<0.000000e+00> : vector<1024xf32>
    %reduce_sum3A_20 = vector.multi_reduction <add>, %add3A_13, %reduce_sum3A [1] : vector<1024x128xf32> to vector<1024xf32>
    %broadcast_in_dim3A = vector.shape_cast %reduce_sum3A_20 : vector<1024xf32> to vector<1024x1xf32>
    %div3A = arith.constant 1.280000e+02 : f32
    %div3A_21 = vector.broadcast %div3A : f32 to vector<1024x1xf32>
    %div3A_22 = arith.divf %broadcast_in_dim3A, %div3A_21 : vector<1024x1xf32>
    %sub3A = vector.broadcast %div3A_22 : vector<1024x1xf32> to vector<1024x128xf32>
    %sub3A_23 = arith.subf %add3A_13, %sub3A : vector<1024x128xf32>
    %mul3A = arith.mulf %sub3A_23, %sub3A_23 : vector<1024x128xf32>
    %reduce_sum3A_24 = arith.constant dense<0.000000e+00> : vector<1024xf32>
    %reduce_sum3A_25 = vector.multi_reduction <add>, %mul3A, %reduce_sum3A_24 [1] : vector<1024x128xf32> to vector<1024xf32>
    %broadcast_in_dim3A_26 = vector.shape_cast %reduce_sum3A_25 : vector<1024xf32> to vector<1024x1xf32>
    %div3A_27 = arith.constant 1.280000e+02 : f32
    %div3A_28 = vector.broadcast %div3A_27 : f32 to vector<1024x1xf32>
    %div3A_29 = arith.divf %broadcast_in_dim3A_26, %div3A_28 : vector<1024x1xf32>
    %add3A_30 = arith.constant 9.99999974E-6 : f32
    %add3A_31 = vector.broadcast %add3A_30 : f32 to vector<1024x1xf32>
    %add3A_32 = arith.addf %div3A_29, %add3A_31 : vector<1024x1xf32>
    %rsqrt3A = math.rsqrt %add3A_32 : vector<1024x1xf32>
    %mul3A_33 = vector.broadcast %rsqrt3A : vector<1024x1xf32> to vector<1024x128xf32>
    %mul3A_34 = arith.mulf %sub3A_23, %mul3A_33 : vector<1024x128xf32>
    %mul3A_35 = vector.broadcast %get3A_16 : vector<1x128xf32> to vector<1024x128xf32>
    %mul3A_36 = arith.mulf %mul3A_34, %mul3A_35 : vector<1024x128xf32>
    %add3A_37 = vector.broadcast %get3A_19 : vector<1x128xf32> to vector<1024x128xf32>
    %add3A_38 = arith.addf %mul3A_36, %add3A_37 : vector<1024x128xf32>
    %max3A = arith.constant 0.000000e+00 : f32
    %max3A_39 = vector.broadcast %max3A : f32 to vector<1024x128xf32>
    %max3A_40 = arith.maximumf %add3A_38, %max3A_39 : vector<1024x128xf32>
    %get3A_41 = arith.constant 0 : index
    %get3A_42 = arith.constant 0 : index
    %get3A_43 = vector.load %arg7[%get3A_41, %get3A_42] : memref<128x128xf32, #tpu.memory_space<vmem>>, vector<128x128xf32>
    %dot_general3A = arith.constant dense<0.000000e+00> : vector<1024x128xf32>
    %dot_general3A_44 = tpu.matmul %max3A_40, %get3A_43, %dot_general3A {dimension_numbers = #tpu.dot_dimension_numbers<[1], [0], [0], [1], [0, 0, 1, 1], [], []>, precision = #tpu.contract_precision<fp32>, transpose_lhs_hint = false} : vector<1024x128xf32>, vector<128x128xf32>, vector<1024x128xf32> -> vector<1024x128xf32>
    %swap3A = arith.constant 0 : index
    %swap3A_45 = arith.constant 0 : index
    %swap3A_46 = arith.constant 0 : index
    %swap3A_47 = vector.load %arg9[%swap3A, %swap3A_45, %swap3A_46] : memref<2x1024x128xf32, #tpu.memory_space<vmem>>, vector<1x1024x128xf32>
    %swap3A_48 = vector.shape_cast %swap3A_47 : vector<1x1024x128xf32> to vector<1024x128xf32>
    %swap3A_49 = vector.shape_cast %dot_general3A_44 : vector<1024x128xf32> to vector<1x1024x128xf32>
    tpu.vector_store %arg9[%swap3A, %swap3A_45, %swap3A_46], %swap3A_49 {strides = array<i32>} : memref<2x1024x128xf32, #tpu.memory_space<vmem>>, vector<1x1024x128xf32>,
    %get3A_50 = arith.constant 0 : index
    %get3A_51 = arith.constant 0 : index
    %get3A_52 = vector.load %arg8[%get3A_50, %get3A_51] : memref<128x128xf32, #tpu.memory_space<vmem>>, vector<128x128xf32>
    %dot_general3A_53 = arith.constant dense<0.000000e+00> : vector<1024x128xf32>
    %dot_general3A_54 = tpu.matmul %max3A_40, %get3A_52, %dot_general3A_53 {dimension_numbers = #tpu.dot_dimension_numbers<[1], [0], [0], [1], [0, 0, 1, 1], [], []>, precision = #tpu.contract_precision<fp32>, transpose_lhs_hint = false} : vector<1024x128xf32>, vector<128x128xf32>, vector<1024x128xf32> -> vector<1024x128xf32>
    %swap3A_55 = arith.constant 1 : index
    %swap3A_56 = arith.constant 0 : index
    %swap3A_57 = arith.constant 0 : index
    %swap3A_58 = vector.load %arg9[%swap3A_55, %swap3A_56, %swap3A_57] : memref<2x1024x128xf32, #tpu.memory_space<vmem>>, vector<1x1024x128xf32>
    %swap3A_59 = vector.shape_cast %swap3A_58 : vector<1x1024x128xf32> to vector<1024x128xf32>
    %swap3A_60 = vector.shape_cast %dot_general3A_54 : vector<1024x128xf32> to vector<1x1024x128xf32>
    tpu.vector_store %arg9[%swap3A_55, %swap3A_56, %swap3A_57], %swap3A_60 {strides = array<i32>} : memref<2x1024x128xf32, #tpu.memory_space<vmem>>, vector<1x1024x128xf32>,
    return
  }
  func.func @transform_0(%arg0: i32) -> (i32, i32) {
    %c0_i32 = arith.constant 0 : i32
    %c0_i32_0 = arith.constant 0 : i32
    return %arg0, %c0_i32 : i32, i32
  }
  func.func @transform_1(%arg0: i32) -> (i32, i32) {
    %c0_i32 = arith.constant 0 : i32
    %c0_i32_0 = arith.constant 0 : i32
    return %arg0, %c0_i32 : i32, i32
  }
  func.func @transform_2(%arg0: i32) -> (i32, i32) {
    %c0_i32 = arith.constant 0 : i32
    %c0_i32_0 = arith.constant 0 : i32
    return %arg0, %c0_i32 : i32, i32
  }
  func.func @transform_3(%arg0: i32) -> (i32, i32) {
    %c0_i32 = arith.constant 0 : i32
    %c0_i32_0 = arith.constant 0 : i32
    %c0_i32_1 = arith.constant 0 : i32
    return %c0_i32, %c0_i32_0 : i32, i32
  }
  func.func @transform_4(%arg0: i32) -> (i32, i32) {
    %c0_i32 = arith.constant 0 : i32
    %c0_i32_0 = arith.constant 0 : i32
    %c0_i32_1 = arith.constant 0 : i32
    return %c0_i32, %c0_i32_0 : i32, i32
  }
  func.func @transform_5(%arg0: i32) -> (i32, i32) {
    %c0_i32 = arith.constant 0 : i32
    %c0_i32_0 = arith.constant 0 : i32
    %c0_i32_1 = arith.constant 0 : i32
    return %c0_i32, %c0_i32_0 : i32, i32
  }
  func.func @transform_6(%arg0: i32) -> (i32, i32) {
    %c0_i32 = arith.constant 0 : i32
    %c0_i32_0 = arith.constant 0 : i32
    %c0_i32_1 = arith.constant 0 : i32
    return %c0_i32, %c0_i32_0 : i32, i32
  }
  func.func @transform_7(%arg0: i32) -> (i32, i32) {
    %c0_i32 = arith.constant 0 : i32
    %c0_i32_0 = arith.constant 0 : i32
    %c0_i32_1 = arith.constant 0 : i32
    return %c0_i32, %c0_i32_0 : i32, i32
  }
  func.func @transform_8(%arg0: i32) -> (i32, i32, i32) {
    %c0_i32 = arith.constant 0 : i32
    %c0_i32_0 = arith.constant 0 : i32
    %c0_i32_1 = arith.constant 0 : i32
    return %c0_i32, %arg0, %c0_i32_0 : i32, i32, i32
  }
}

module attributes {stable_mosaic.version = 14 : i64} {
  func.func @_off_body(%arg0: i32, %arg1: memref<80x128xi32, #tpu.memory_space<vmem>>, %arg2: memref<1x1x128xi32, #tpu.memory_space<vmem>>, %arg3: memref<1x1x128xi32, #tpu.memory_space<vmem>>) attributes {dimension_semantics = [#tpu.dimension_semantics<arbitrary>], iteration_bounds = array<i64: 256>, scalar_prefetch = 0 : i64, scratch_operands = 0 : i64, tpu.core_type = #tpu.core_type<tc>, window_params = [{pipeline_mode = #tpu.pipeline_mode<synchronous>, transform_indices = @transform_0, window_bounds = array<i64: 80, 128>}, {transform_indices = @transform_1, window_bounds = array<i64: 1, 1, 128>}, {transform_indices = @transform_2, window_bounds = array<i64: 1, 1, 128>}]} {
    %get3A = arith.constant 0 : index
    %get3A_0 = arith.constant 0 : index
    %get3A_1 = vector.load %arg1[%get3A, %get3A_0] : memref<80x128xi32, #tpu.memory_space<vmem>>, vector<80x128xi32>
    %lt3A = vector.broadcast %arg0 : i32 to vector<80x128xi32>
    %lt3A_2 = arith.cmpi slt, %get3A_1, %lt3A : vector<80x128xi32>
    %convert_element_type3A = arith.extui %lt3A_2 : vector<80x128xi1> to vector<80x128xi32>
    %reduce_sum3A = vector.shape_cast %convert_element_type3A : vector<80x128xi32> to vector<1x80x128xi32>
    %reduce_sum3A_3 = arith.constant dense<0> : vector<1xi32>
    %reduce_sum3A_4 = vector.multi_reduction <add>, %reduce_sum3A, %reduce_sum3A_3 [1, 2] : vector<1x80x128xi32> to vector<1xi32>
    %reduce_sum3A_5 = vector.shape_cast %reduce_sum3A_4 : vector<1xi32> to vector<1x1x1xi32>
    %reduce_sum3A_6 = vector.extract %reduce_sum3A_5[0, 0, 0] : i32 from vector<1x1x1xi32>
    %eq3A = vector.broadcast %arg0 : i32 to vector<80x128xi32>
    %eq3A_7 = arith.cmpi eq, %get3A_1, %eq3A : vector<80x128xi32>
    %convert_element_type3A_8 = arith.extui %eq3A_7 : vector<80x128xi1> to vector<80x128xi32>
    %reduce_sum3A_9 = vector.shape_cast %convert_element_type3A_8 : vector<80x128xi32> to vector<1x80x128xi32>
    %reduce_sum3A_10 = arith.constant dense<0> : vector<1xi32>
    %reduce_sum3A_11 = vector.multi_reduction <add>, %reduce_sum3A_9, %reduce_sum3A_10 [1, 2] : vector<1x80x128xi32> to vector<1xi32>
    %reduce_sum3A_12 = vector.shape_cast %reduce_sum3A_11 : vector<1xi32> to vector<1x1x1xi32>
    %reduce_sum3A_13 = vector.extract %reduce_sum3A_12[0, 0, 0] : i32 from vector<1x1x1xi32>
    %broadcast_in_dim3A = vector.broadcast %reduce_sum3A_6 : i32 to vector<1x1x128xi32>
    %swap3A = arith.constant 0 : index
    %swap3A_14 = arith.constant 0 : index
    %swap3A_15 = arith.constant 0 : index
    %swap3A_16 = vector.load %arg2[%swap3A, %swap3A_14, %swap3A_15] : memref<1x1x128xi32, #tpu.memory_space<vmem>>, vector<1x1x128xi32>
    tpu.vector_store %arg2[%swap3A, %swap3A_14, %swap3A_15], %broadcast_in_dim3A {strides = array<i32>} : memref<1x1x128xi32, #tpu.memory_space<vmem>>, vector<1x1x128xi32>,
    %broadcast_in_dim3A_17 = vector.broadcast %reduce_sum3A_13 : i32 to vector<1x1x128xi32>
    %swap3A_18 = arith.constant 0 : index
    %swap3A_19 = arith.constant 0 : index
    %swap3A_20 = arith.constant 0 : index
    %swap3A_21 = vector.load %arg3[%swap3A_18, %swap3A_19, %swap3A_20] : memref<1x1x128xi32, #tpu.memory_space<vmem>>, vector<1x1x128xi32>
    tpu.vector_store %arg3[%swap3A_18, %swap3A_19, %swap3A_20], %broadcast_in_dim3A_17 {strides = array<i32>} : memref<1x1x128xi32, #tpu.memory_space<vmem>>, vector<1x1x128xi32>,
    return
  }
  func.func @transform_0(%arg0: i32) -> (i32, i32) {
    %c0_i32 = arith.constant 0 : i32
    %c0_i32_0 = arith.constant 0 : i32
    %c0_i32_1 = arith.constant 0 : i32
    return %c0_i32, %c0_i32_0 : i32, i32
  }
  func.func @transform_1(%arg0: i32) -> (i32, i32, i32) {
    %c0_i32 = arith.constant 0 : i32
    %c0_i32_0 = arith.constant 0 : i32
    %c0_i32_1 = arith.constant 0 : i32
    return %arg0, %c0_i32, %c0_i32_0 : i32, i32, i32
  }
  func.func @transform_2(%arg0: i32) -> (i32, i32, i32) {
    %c0_i32 = arith.constant 0 : i32
    %c0_i32_0 = arith.constant 0 : i32
    %c0_i32_1 = arith.constant 0 : i32
    return %arg0, %c0_i32, %c0_i32_0 : i32, i32, i32
  }
}

module attributes {stable_mosaic.version = 14 : i64} {
  func.func @_updlast_body(%arg0: i32, %arg1: memref<1024x128xf32, #tpu.memory_space<vmem>>, %arg2: memref<1024x128xf32, #tpu.memory_space<vmem>>, %arg3: memref<1024x128xf32, #tpu.memory_space<vmem>>, %arg4: memref<1x128xf32, #tpu.memory_space<vmem>>, %arg5: memref<1x128xf32, #tpu.memory_space<vmem>>, %arg6: memref<1x128xf32, #tpu.memory_space<vmem>>, %arg7: memref<1024x128xf32, #tpu.memory_space<vmem>>) attributes {dimension_semantics = [#tpu.dimension_semantics<arbitrary>], iteration_bounds = array<i64: 10>, scalar_prefetch = 0 : i64, scratch_operands = 0 : i64, tpu.core_type = #tpu.core_type<tc>, window_params = [{transform_indices = @transform_0, window_bounds = array<i64: 1024, 128>}, {transform_indices = @transform_1, window_bounds = array<i64: 1024, 128>}, {transform_indices = @transform_2, window_bounds = array<i64: 1024, 128>}, {pipeline_mode = #tpu.pipeline_mode<synchronous>, transform_indices = @transform_3, window_bounds = array<i64: 1, 128>}, {pipeline_mode = #tpu.pipeline_mode<synchronous>, transform_indices = @transform_4, window_bounds = array<i64: 1, 128>}, {pipeline_mode = #tpu.pipeline_mode<synchronous>, transform_indices = @transform_5, window_bounds = array<i64: 1, 128>}, {transform_indices = @transform_6, window_bounds = array<i64: 1024, 128>}]} {
    %get3A = arith.constant 0 : index
    %get3A_0 = arith.constant 0 : index
    %get3A_1 = vector.load %arg1[%get3A, %get3A_0] : memref<1024x128xf32, #tpu.memory_space<vmem>>, vector<1024x128xf32>
    %get3A_2 = arith.constant 0 : index
    %get3A_3 = arith.constant 0 : index
    %get3A_4 = vector.load %arg2[%get3A_2, %get3A_3] : memref<1024x128xf32, #tpu.memory_space<vmem>>, vector<1024x128xf32>
    %add3A = arith.addf %get3A_1, %get3A_4 : vector<1024x128xf32>
    %get3A_5 = arith.constant 0 : index
    %get3A_6 = arith.constant 0 : index
    %get3A_7 = vector.load %arg3[%get3A_5, %get3A_6] : memref<1024x128xf32, #tpu.memory_space<vmem>>, vector<1024x128xf32>
    %add3A_8 = arith.addf %add3A, %get3A_7 : vector<1024x128xf32>
    %get3A_9 = arith.constant 0 : index
    %get3A_10 = arith.constant 0 : index
    %get3A_11 = vector.load %arg4[%get3A_9, %get3A_10] : memref<1x128xf32, #tpu.memory_space<vmem>>, vector<1x128xf32>
    %add3A_12 = vector.broadcast %get3A_11 : vector<1x128xf32> to vector<1024x128xf32>
    %add3A_13 = arith.addf %add3A_8, %add3A_12 : vector<1024x128xf32>
    %get3A_14 = arith.constant 0 : index
    %get3A_15 = arith.constant 0 : index
    %get3A_16 = vector.load %arg5[%get3A_14, %get3A_15] : memref<1x128xf32, #tpu.memory_space<vmem>>, vector<1x128xf32>
    %get3A_17 = arith.constant 0 : index
    %get3A_18 = arith.constant 0 : index
    %get3A_19 = vector.load %arg6[%get3A_17, %get3A_18] : memref<1x128xf32, #tpu.memory_space<vmem>>, vector<1x128xf32>
    %reduce_sum3A = arith.constant dense<0.000000e+00> : vector<1024xf32>
    %reduce_sum3A_20 = vector.multi_reduction <add>, %add3A_13, %reduce_sum3A [1] : vector<1024x128xf32> to vector<1024xf32>
    %broadcast_in_dim3A = vector.shape_cast %reduce_sum3A_20 : vector<1024xf32> to vector<1024x1xf32>
    %div3A = arith.constant 1.280000e+02 : f32
    %div3A_21 = vector.broadcast %div3A : f32 to vector<1024x1xf32>
    %div3A_22 = arith.divf %broadcast_in_dim3A, %div3A_21 : vector<1024x1xf32>
    %sub3A = vector.broadcast %div3A_22 : vector<1024x1xf32> to vector<1024x128xf32>
    %sub3A_23 = arith.subf %add3A_13, %sub3A : vector<1024x128xf32>
    %mul3A = arith.mulf %sub3A_23, %sub3A_23 : vector<1024x128xf32>
    %reduce_sum3A_24 = arith.constant dense<0.000000e+00> : vector<1024xf32>
    %reduce_sum3A_25 = vector.multi_reduction <add>, %mul3A, %reduce_sum3A_24 [1] : vector<1024x128xf32> to vector<1024xf32>
    %broadcast_in_dim3A_26 = vector.shape_cast %reduce_sum3A_25 : vector<1024xf32> to vector<1024x1xf32>
    %div3A_27 = arith.constant 1.280000e+02 : f32
    %div3A_28 = vector.broadcast %div3A_27 : f32 to vector<1024x1xf32>
    %div3A_29 = arith.divf %broadcast_in_dim3A_26, %div3A_28 : vector<1024x1xf32>
    %add3A_30 = arith.constant 9.99999974E-6 : f32
    %add3A_31 = vector.broadcast %add3A_30 : f32 to vector<1024x1xf32>
    %add3A_32 = arith.addf %div3A_29, %add3A_31 : vector<1024x1xf32>
    %rsqrt3A = math.rsqrt %add3A_32 : vector<1024x1xf32>
    %mul3A_33 = vector.broadcast %rsqrt3A : vector<1024x1xf32> to vector<1024x128xf32>
    %mul3A_34 = arith.mulf %sub3A_23, %mul3A_33 : vector<1024x128xf32>
    %mul3A_35 = vector.broadcast %get3A_16 : vector<1x128xf32> to vector<1024x128xf32>
    %mul3A_36 = arith.mulf %mul3A_34, %mul3A_35 : vector<1024x128xf32>
    %add3A_37 = vector.broadcast %get3A_19 : vector<1x128xf32> to vector<1024x128xf32>
    %add3A_38 = arith.addf %mul3A_36, %add3A_37 : vector<1024x128xf32>
    %max3A = arith.constant 0.000000e+00 : f32
    %max3A_39 = vector.broadcast %max3A : f32 to vector<1024x128xf32>
    %max3A_40 = arith.maximumf %add3A_38, %max3A_39 : vector<1024x128xf32>
    %swap3A = arith.constant 0 : index
    %swap3A_41 = arith.constant 0 : index
    %swap3A_42 = vector.load %arg7[%swap3A, %swap3A_41] : memref<1024x128xf32, #tpu.memory_space<vmem>>, vector<1024x128xf32>
    tpu.vector_store %arg7[%swap3A, %swap3A_41], %max3A_40 {strides = array<i32>} : memref<1024x128xf32, #tpu.memory_space<vmem>>, vector<1024x128xf32>,
    return
  }
  func.func @transform_0(%arg0: i32) -> (i32, i32) {
    %c0_i32 = arith.constant 0 : i32
    %c0_i32_0 = arith.constant 0 : i32
    return %arg0, %c0_i32 : i32, i32
  }
  func.func @transform_1(%arg0: i32) -> (i32, i32) {
    %c0_i32 = arith.constant 0 : i32
    %c0_i32_0 = arith.constant 0 : i32
    return %arg0, %c0_i32 : i32, i32
  }
  func.func @transform_2(%arg0: i32) -> (i32, i32) {
    %c0_i32 = arith.constant 0 : i32
    %c0_i32_0 = arith.constant 0 : i32
    return %arg0, %c0_i32 : i32, i32
  }
  func.func @transform_3(%arg0: i32) -> (i32, i32) {
    %c0_i32 = arith.constant 0 : i32
    %c0_i32_0 = arith.constant 0 : i32
    %c0_i32_1 = arith.constant 0 : i32
    return %c0_i32, %c0_i32_0 : i32, i32
  }
  func.func @transform_4(%arg0: i32) -> (i32, i32) {
    %c0_i32 = arith.constant 0 : i32
    %c0_i32_0 = arith.constant 0 : i32
    %c0_i32_1 = arith.constant 0 : i32
    return %c0_i32, %c0_i32_0 : i32, i32
  }
  func.func @transform_5(%arg0: i32) -> (i32, i32) {
    %c0_i32 = arith.constant 0 : i32
    %c0_i32_0 = arith.constant 0 : i32
    %c0_i32_1 = arith.constant 0 : i32
    return %c0_i32, %c0_i32_0 : i32, i32
  }
  func.func @transform_6(%arg0: i32) -> (i32, i32) {
    %c0_i32 = arith.constant 0 : i32
    %c0_i32_0 = arith.constant 0 : i32
    return %arg0, %c0_i32 : i32, i32
  }
}

module attributes {stable_mosaic.version = 14 : i64} {
  func.func @_pool_body(%arg0: i32, %arg1: memref<10240x128xf32, #tpu.memory_space<vmem>>, %arg2: memref<10240x16xf32, #tpu.memory_space<vmem>>, %arg3: memref<256xi32, #tpu.memory_space<smem>>, %arg4: memref<256xi32, #tpu.memory_space<smem>>, %arg5: memref<1x128xf32, #tpu.memory_space<vmem>>, %arg6: memref<1x128xf32, #tpu.memory_space<vmem>>, %arg7: memref<4x128x128xf32, #tpu.memory_space<vmem>>, %arg8: memref<4x128xf32, #tpu.memory_space<vmem>>, %arg9: memref<1x16x128xf32, #tpu.memory_space<vmem>>, %arg10: memref<1x1x16xf32, #tpu.memory_space<vmem>>, %arg11: memref<1x128xf32, #tpu.memory_space<vmem>>) attributes {dimension_semantics = [#tpu.dimension_semantics<arbitrary>], iteration_bounds = array<i64: 256>, scalar_prefetch = 0 : i64, scratch_operands = 0 : i64, tpu.core_type = #tpu.core_type<tc>, window_params = [{pipeline_mode = #tpu.pipeline_mode<synchronous>, transform_indices = @transform_0, window_bounds = array<i64: 10240, 128>}, {pipeline_mode = #tpu.pipeline_mode<synchronous>, transform_indices = @transform_1, window_bounds = array<i64: 10240, 16>}, {transform_indices = @transform_2, window_bounds = array<i64: 256>}, {transform_indices = @transform_3, window_bounds = array<i64: 256>}, {pipeline_mode = #tpu.pipeline_mode<synchronous>, transform_indices = @transform_4, window_bounds = array<i64: 1, 128>}, {pipeline_mode = #tpu.pipeline_mode<synchronous>, transform_indices = @transform_5, window_bounds = array<i64: 1, 128>}, {pipeline_mode = #tpu.pipeline_mode<synchronous>, transform_indices = @transform_6, window_bounds = array<i64: 4, 128, 128>}, {pipeline_mode = #tpu.pipeline_mode<synchronous>, transform_indices = @transform_7, window_bounds = array<i64: 4, 128>}, {transform_indices = @transform_8, window_bounds = array<i64: 1, 16, 128>}, {transform_indices = @transform_9, window_bounds = array<i64: 1, 1, 16>}, {pipeline_mode = #tpu.pipeline_mode<synchronous>, transform_indices = @transform_10, window_bounds = array<i64: 1, 128>}]} {
    %get3A = arith.index_cast %arg0 : i32 to index
    %get3A_0 = memref.load %arg3[%get3A] : memref<256xi32, #tpu.memory_space<smem>>
    %get3A_1 = arith.index_cast %arg0 : i32 to index
    %get3A_2 = memref.load %arg4[%get3A_1] : memref<256xi32, #tpu.memory_space<smem>>
    %get3A_3 = arith.index_cast %get3A_0 : i32 to index
    %get3A_4 = arith.constant 0 : index
    %get3A_5 = vector.load %arg1[%get3A_3, %get3A_4] : memref<10240x128xf32, #tpu.memory_space<vmem>>, vector<128x128xf32>
    %get3A_6 = arith.index_cast %get3A_0 : i32 to index
    %get3A_7 = arith.constant 0 : index
    %get3A_8 = vector.load %arg2[%get3A_6, %get3A_7] : memref<10240x16xf32, #tpu.memory_space<vmem>>, vector<128x16xf32>
    %iota3A = tpu.iota {dimensions = array<i32: 0>} : vector<128x1xi32>
    %lt3A = vector.broadcast %get3A_2 : i32 to vector<128x1xi32>
    %lt3A_9 = arith.cmpi slt, %iota3A, %lt3A : vector<128x1xi32>
    %convert_element_type3A = arith.extui %lt3A_9 : vector<128x1xi1> to vector<128x1xi32>
    %convert_element_type3A_10 = arith.sitofp %convert_element_type3A : vector<128x1xi32> to vector<128x1xf32>
    %mul3A = vector.broadcast %convert_element_type3A_10 : vector<128x1xf32> to vector<128x16xf32>
    %mul3A_11 = arith.mulf %get3A_8, %mul3A : vector<128x16xf32>
    %dot_general3A = arith.constant dense<0.000000e+00> : vector<16x128xf32>
    %dot_general3A_12 = tpu.matmul %mul3A_11, %get3A_5, %dot_general3A {dimension_numbers = #tpu.dot_dimension_numbers<[0], [0], [1], [1], [0, 1, 1, 1], [], []>, precision = #tpu.contract_precision<fp32>, transpose_lhs_hint = false} : vector<128x16xf32>, vector<128x128xf32>, vector<16x128xf32> -> vector<16x128xf32>
    %get3A_13 = arith.constant 0 : index
    %get3A_14 = arith.constant 0 : index
    %get3A_15 = vector.load %arg5[%get3A_13, %get3A_14] : memref<1x128xf32, #tpu.memory_space<vmem>>, vector<1x128xf32>
    %get3A_16 = arith.constant 0 : index
    %get3A_17 = arith.constant 0 : index
    %get3A_18 = vector.load %arg6[%get3A_16, %get3A_17] : memref<1x128xf32, #tpu.memory_space<vmem>>, vector<1x128xf32>
    %reduce_sum3A = arith.constant dense<0.000000e+00> : vector<16xf32>
    %reduce_sum3A_19 = vector.multi_reduction <add>, %dot_general3A_12, %reduce_sum3A [1] : vector<16x128xf32> to vector<16xf32>
    %broadcast_in_dim3A = vector.shape_cast %reduce_sum3A_19 : vector<16xf32> to vector<16x1xf32>
    %div3A = arith.constant 1.280000e+02 : f32
    %div3A_20 = vector.broadcast %div3A : f32 to vector<16x1xf32>
    %div3A_21 = arith.divf %broadcast_in_dim3A, %div3A_20 : vector<16x1xf32>
    %sub3A = vector.broadcast %div3A_21 : vector<16x1xf32> to vector<16x128xf32>
    %sub3A_22 = arith.subf %dot_general3A_12, %sub3A : vector<16x128xf32>
    %mul3A_23 = arith.mulf %sub3A_22, %sub3A_22 : vector<16x128xf32>
    %reduce_sum3A_24 = arith.constant dense<0.000000e+00> : vector<16xf32>
    %reduce_sum3A_25 = vector.multi_reduction <add>, %mul3A_23, %reduce_sum3A_24 [1] : vector<16x128xf32> to vector<16xf32>
    %broadcast_in_dim3A_26 = vector.shape_cast %reduce_sum3A_25 : vector<16xf32> to vector<16x1xf32>
    %div3A_27 = arith.constant 1.280000e+02 : f32
    %div3A_28 = vector.broadcast %div3A_27 : f32 to vector<16x1xf32>
    %div3A_29 = arith.divf %broadcast_in_dim3A_26, %div3A_28 : vector<16x1xf32>
    %add3A = arith.constant 9.99999974E-6 : f32
    %add3A_30 = vector.broadcast %add3A : f32 to vector<16x1xf32>
    %add3A_31 = arith.addf %div3A_29, %add3A_30 : vector<16x1xf32>
    %rsqrt3A = math.rsqrt %add3A_31 : vector<16x1xf32>
    %mul3A_32 = vector.broadcast %rsqrt3A : vector<16x1xf32> to vector<16x128xf32>
    %mul3A_33 = arith.mulf %sub3A_22, %mul3A_32 : vector<16x128xf32>
    %mul3A_34 = vector.broadcast %get3A_15 : vector<1x128xf32> to vector<16x128xf32>
    %mul3A_35 = arith.mulf %mul3A_33, %mul3A_34 : vector<16x128xf32>
    %add3A_36 = vector.broadcast %get3A_18 : vector<1x128xf32> to vector<16x128xf32>
    %add3A_37 = arith.addf %mul3A_35, %add3A_36 : vector<16x128xf32>
    %broadcast_in_dim3A_38 = vector.shape_cast %add3A_37 : vector<16x128xf32> to vector<1x16x128xf32>
    %swap3A = arith.constant 0 : index
    %swap3A_39 = arith.constant 0 : index
    %swap3A_40 = arith.constant 0 : index
    %swap3A_41 = vector.load %arg9[%swap3A, %swap3A_39, %swap3A_40] : memref<1x16x128xf32, #tpu.memory_space<vmem>>, vector<1x16x128xf32>
    tpu.vector_store %arg9[%swap3A, %swap3A_39, %swap3A_40], %broadcast_in_dim3A_38 {strides = array<i32>} : memref<1x16x128xf32, #tpu.memory_space<vmem>>, vector<1x16x128xf32>,
    %reduce_sum3A_42 = arith.constant dense<0.000000e+00> : vector<16xf32>
    %reduce_sum3A_43 = vector.multi_reduction <add>, %mul3A_11, %reduce_sum3A_42 [0] : vector<128x16xf32> to vector<16xf32>
    %broadcast_in_dim3A_44 = vector.shape_cast %reduce_sum3A_43 : vector<16xf32> to vector<1x16xf32>
    %gt3A = arith.constant 0.000000e+00 : f32
    %gt3A_45 = vector.broadcast %gt3A : f32 to vector<1x16xf32>
    %gt3A_46 = arith.cmpf ogt, %broadcast_in_dim3A_44, %gt3A_45 : vector<1x16xf32>
    %convert_element_type3A_47 = arith.extui %gt3A_46 : vector<1x16xi1> to vector<1x16xi32>
    %convert_element_type3A_48 = arith.sitofp %convert_element_type3A_47 : vector<1x16xi32> to vector<1x16xf32>
    %broadcast_in_dim3A_49 = vector.shape_cast %convert_element_type3A_48 : vector<1x16xf32> to vector<1x1x16xf32>
    %swap3A_50 = arith.constant 0 : index
    %swap3A_51 = arith.constant 0 : index
    %swap3A_52 = arith.constant 0 : index
    %swap3A_53 = vector.load %arg10[%swap3A_50, %swap3A_51, %swap3A_52] : memref<1x1x16xf32, #tpu.memory_space<vmem>>, vector<1x1x16xf32>
    tpu.vector_store %arg10[%swap3A_50, %swap3A_51, %swap3A_52], %broadcast_in_dim3A_49 {strides = array<i32>} : memref<1x1x16xf32, #tpu.memory_space<vmem>>, vector<1x1x16xf32>,
    %eq3A = arith.constant 0 : i32
    %eq3A_54 = arith.cmpi eq, %arg0, %eq3A : i32
    %convert_element_type3A_55 = arith.extui %eq3A_54 : i1 to i32
    %cond3A = arith.constant 0 : i32
    %cond3A_56 = arith.cmpi ne, %convert_element_type3A_55, %cond3A : i32
    scf.if %cond3A_56 {
      %get3A_57 = arith.constant 0 : index
      %get3A_58 = arith.constant 0 : index
      %get3A_59 = vector.load %arg8[%get3A_57, %get3A_58] : memref<4x128xf32, #tpu.memory_space<vmem>>, vector<4x128xf32>
      %abs3A = math.absf %get3A_59 : vector<4x128xf32>
      %reduce_sum3A_60 = vector.shape_cast %abs3A : vector<4x128xf32> to vector<1x4x128xf32>
      %reduce_sum3A_61 = arith.constant dense<0.000000e+00> : vector<1xf32>
      %reduce_sum3A_62 = vector.multi_reduction <add>, %reduce_sum3A_60, %reduce_sum3A_61 [1, 2] : vector<1x4x128xf32> to vector<1xf32>
      %reduce_sum3A_63 = vector.shape_cast %reduce_sum3A_62 : vector<1xf32> to vector<1x1x1xf32>
      %reduce_sum3A_64 = vector.extract %reduce_sum3A_63[0, 0, 0] : f32 from vector<1x1x1xf32>
      %get3A_65 = arith.constant 0 : index
      %get3A_66 = arith.constant 0 : index
      %get3A_67 = arith.constant 0 : index
      %get3A_68 = vector.load %arg7[%get3A_65, %get3A_66, %get3A_67] : memref<4x128x128xf32, #tpu.memory_space<vmem>>, vector<1x128x128xf32>
      %get3A_69 = vector.shape_cast %get3A_68 : vector<1x128x128xf32> to vector<128x128xf32>
      %abs3A_70 = math.absf %get3A_69 : vector<128x128xf32>
      %reduce_sum3A_71 = vector.shape_cast %abs3A_70 : vector<128x128xf32> to vector<1x128x128xf32>
      %reduce_sum3A_72 = arith.constant dense<0.000000e+00> : vector<1xf32>
      %reduce_sum3A_73 = vector.multi_reduction <add>, %reduce_sum3A_71, %reduce_sum3A_72 [1, 2] : vector<1x128x128xf32> to vector<1xf32>
      %reduce_sum3A_74 = vector.shape_cast %reduce_sum3A_73 : vector<1xf32> to vector<1x1x1xf32>
      %reduce_sum3A_75 = vector.extract %reduce_sum3A_74[0, 0, 0] : f32 from vector<1x1x1xf32>
      %add3A_76 = arith.addf %reduce_sum3A_64, %reduce_sum3A_75 : f32
      %get3A_77 = arith.constant 1 : index
      %get3A_78 = arith.constant 0 : index
      %get3A_79 = arith.constant 0 : index
      %get3A_80 = vector.load %arg7[%get3A_77, %get3A_78, %get3A_79] : memref<4x128x128xf32, #tpu.memory_space<vmem>>, vector<1x128x128xf32>
      %get3A_81 = vector.shape_cast %get3A_80 : vector<1x128x128xf32> to vector<128x128xf32>
      %abs3A_82 = math.absf %get3A_81 : vector<128x128xf32>
      %reduce_sum3A_83 = vector.shape_cast %abs3A_82 : vector<128x128xf32> to vector<1x128x128xf32>
      %reduce_sum3A_84 = arith.constant dense<0.000000e+00> : vector<1xf32>
      %reduce_sum3A_85 = vector.multi_reduction <add>, %reduce_sum3A_83, %reduce_sum3A_84 [1, 2] : vector<1x128x128xf32> to vector<1xf32>
      %reduce_sum3A_86 = vector.shape_cast %reduce_sum3A_85 : vector<1xf32> to vector<1x1x1xf32>
      %reduce_sum3A_87 = vector.extract %reduce_sum3A_86[0, 0, 0] : f32 from vector<1x1x1xf32>
      %add3A_88 = arith.addf %add3A_76, %reduce_sum3A_87 : f32
      %get3A_89 = arith.constant 2 : index
      %get3A_90 = arith.constant 0 : index
      %get3A_91 = arith.constant 0 : index
      %get3A_92 = vector.load %arg7[%get3A_89, %get3A_90, %get3A_91] : memref<4x128x128xf32, #tpu.memory_space<vmem>>, vector<1x128x128xf32>
      %get3A_93 = vector.shape_cast %get3A_92 : vector<1x128x128xf32> to vector<128x128xf32>
      %abs3A_94 = math.absf %get3A_93 : vector<128x128xf32>
      %reduce_sum3A_95 = vector.shape_cast %abs3A_94 : vector<128x128xf32> to vector<1x128x128xf32>
      %reduce_sum3A_96 = arith.constant dense<0.000000e+00> : vector<1xf32>
      %reduce_sum3A_97 = vector.multi_reduction <add>, %reduce_sum3A_95, %reduce_sum3A_96 [1, 2] : vector<1x128x128xf32> to vector<1xf32>
      %reduce_sum3A_98 = vector.shape_cast %reduce_sum3A_97 : vector<1xf32> to vector<1x1x1xf32>
      %reduce_sum3A_99 = vector.extract %reduce_sum3A_98[0, 0, 0] : f32 from vector<1x1x1xf32>
      %add3A_100 = arith.addf %add3A_88, %reduce_sum3A_99 : f32
      %get3A_101 = arith.constant 3 : index
      %get3A_102 = arith.constant 0 : index
      %get3A_103 = arith.constant 0 : index
      %get3A_104 = vector.load %arg7[%get3A_101, %get3A_102, %get3A_103] : memref<4x128x128xf32, #tpu.memory_space<vmem>>, vector<1x128x128xf32>
      %get3A_105 = vector.shape_cast %get3A_104 : vector<1x128x128xf32> to vector<128x128xf32>
      %abs3A_106 = math.absf %get3A_105 : vector<128x128xf32>
      %reduce_sum3A_107 = vector.shape_cast %abs3A_106 : vector<128x128xf32> to vector<1x128x128xf32>
      %reduce_sum3A_108 = arith.constant dense<0.000000e+00> : vector<1xf32>
      %reduce_sum3A_109 = vector.multi_reduction <add>, %reduce_sum3A_107, %reduce_sum3A_108 [1, 2] : vector<1x128x128xf32> to vector<1xf32>
      %reduce_sum3A_110 = vector.shape_cast %reduce_sum3A_109 : vector<1xf32> to vector<1x1x1xf32>
      %reduce_sum3A_111 = vector.extract %reduce_sum3A_110[0, 0, 0] : f32 from vector<1x1x1xf32>
      %add3A_112 = arith.addf %add3A_100, %reduce_sum3A_111 : f32
      %broadcast_in_dim3A_113 = vector.broadcast %add3A_112 : f32 to vector<1x128xf32>
      %swap3A_114 = arith.constant 0 : index
      %swap3A_115 = arith.constant 0 : index
      %swap3A_116 = vector.load %arg11[%swap3A_114, %swap3A_115] : memref<1x128xf32, #tpu.memory_space<vmem>>, vector<1x128xf32>
      tpu.vector_store %arg11[%swap3A_114, %swap3A_115], %broadcast_in_dim3A_113 {strides = array<i32>} : memref<1x128xf32, #tpu.memory_space<vmem>>, vector<1x128xf32>,
    } else {
    }
    return
  }
  func.func @transform_0(%arg0: i32) -> (i32, i32) {
    %c0_i32 = arith.constant 0 : i32
    %c0_i32_0 = arith.constant 0 : i32
    %c0_i32_1 = arith.constant 0 : i32
    return %c0_i32, %c0_i32_0 : i32, i32
  }
  func.func @transform_1(%arg0: i32) -> (i32, i32) {
    %c0_i32 = arith.constant 0 : i32
    %c0_i32_0 = arith.constant 0 : i32
    %c0_i32_1 = arith.constant 0 : i32
    return %c0_i32, %c0_i32_0 : i32, i32
  }
  func.func @transform_2(%arg0: i32) -> i32 {
    %c0_i32 = arith.constant 0 : i32
    %c0_i32_0 = arith.constant 0 : i32
    return %c0_i32 : i32
  }
  func.func @transform_3(%arg0: i32) -> i32 {
    %c0_i32 = arith.constant 0 : i32
    %c0_i32_0 = arith.constant 0 : i32
    return %c0_i32 : i32
  }
  func.func @transform_4(%arg0: i32) -> (i32, i32) {
    %c0_i32 = arith.constant 0 : i32
    %c0_i32_0 = arith.constant 0 : i32
    %c0_i32_1 = arith.constant 0 : i32
    return %c0_i32, %c0_i32_0 : i32, i32
  }
  func.func @transform_5(%arg0: i32) -> (i32, i32) {
    %c0_i32 = arith.constant 0 : i32
    %c0_i32_0 = arith.constant 0 : i32
    %c0_i32_1 = arith.constant 0 : i32
    return %c0_i32, %c0_i32_0 : i32, i32
  }
  func.func @transform_6(%arg0: i32) -> (i32, i32, i32) {
    %c0_i32 = arith.constant 0 : i32
    %c0_i32_0 = arith.constant 0 : i32
    %c0_i32_1 = arith.constant 0 : i32
    %c0_i32_2 = arith.constant 0 : i32
    return %c0_i32, %c0_i32_0, %c0_i32_1 : i32, i32, i32
  }
  func.func @transform_7(%arg0: i32) -> (i32, i32) {
    %c0_i32 = arith.constant 0 : i32
    %c0_i32_0 = arith.constant 0 : i32
    %c0_i32_1 = arith.constant 0 : i32
    return %c0_i32, %c0_i32_0 : i32, i32
  }
  func.func @transform_8(%arg0: i32) -> (i32, i32, i32) {
    %c0_i32 = arith.constant 0 : i32
    %c0_i32_0 = arith.constant 0 : i32
    %c0_i32_1 = arith.constant 0 : i32
    return %arg0, %c0_i32, %c0_i32_0 : i32, i32, i32
  }
  func.func @transform_9(%arg0: i32) -> (i32, i32, i32) {
    %c0_i32 = arith.constant 0 : i32
    %c0_i32_0 = arith.constant 0 : i32
    %c0_i32_1 = arith.constant 0 : i32
    return %arg0, %c0_i32, %c0_i32_0 : i32, i32, i32
  }
  func.func @transform_10(%arg0: i32) -> (i32, i32) {
    %c0_i32 = arith.constant 0 : i32
    %c0_i32_0 = arith.constant 0 : i32
    %c0_i32_1 = arith.constant 0 : i32
    return %c0_i32, %c0_i32_0 : i32, i32
  }
}

</mosaic_0001>

<sc_bundles>
// kernel: kernel.13.cloned.1.call-start
scs
__scs_entry_jumppad:
0x0: {  	(pc) =	sbr.rel $0x88, $3  }
0x1: {  	(tag) =	ssettag $0x0;
	lr =	simm.s32 $0x1  }
0x2: {  	[smem:$0x3F94] =	sst lr;
	_ =	strace $0xD0000000  }
0x3: {  	_ = 	snop  }
0x4: {  	_ = 	snop  }
0x5: {  	_ = 	snop  }
0x6: {  	_ = 	snop  }
0x7: {  	_ = 	snop  }
__scs_overlays_trampoline_lowered:
0x8: {  	[smem:$0x3FA3] =	sst s0  }
0x9: {  	[smem:$0x3FA4] =	sst s1  }
0xa: {  	[smem:$0x3FA5] =	sst s2  }
0xb: {  	[smem:$0x3FA6] =	sst s3  }
0xc: {  	[smem:$0x3FA7] =	sst s4  }
0xd: {  	[smem:$0x3FA8] =	sst s5  }
0xe: {  	[smem:$0x3FA9] =	sst s6  }
0xf: {  	[smem:$0x3FAA] =	sst s7  }
0x10: {  	[smem:$0x3FAB] =	sst s8  }
0x11: {  	[smem:$0x3FAC] =	sst s9;
	s0 =	simm.s32 @!p0 $0x0  }
0x12: {  	s1 =	sld [smem:$0x3F92];
	s0 =	simm.s32 @p0 $0x1  }
0x13: {  	[smem:$0x3FAD] =	sst s0;
	s0 =	simm.s32 @!p1 $0x0  }
0x14: {  	s2 =	sld [smem:$0x3F91];
	s0 =	simm.s32 @p1 $0x1  }
0x15: {  	[smem:$0x3FAE] =	sst s0;
	s0 =	simm.s32 @!p2 $0x0  }
0x16: {  	s3 =	sld [smem:$0x3FDB];
	s0 =	simm.s32 @p2 $0x1  }
0x17: {  	s4 =	simm.s32 $0x1BF5;
	[smem:$0x3FB0] =	sst s0  }
0x18: {  	s0 =	sld [smem:$0x3F93];
	_ =	swait.ge [sflag:s4], $0x0  }
0x19: {  	s7 =	sld [smem:$0x3F94]  }
0x1a: {  	s8 =	sadd.s32 $0xFFFFE003, lr  }
0x1b: {  	s9 =	sadd.s32 $0xFFFFFEF7, lr;
	s5 =	simm.s32 $0xFFFFFFFF;
	p2 =	slt.u32 s8, $0xFFFFF086  }
0x1c: {  	p1 =	slt.u32 s9, $0xF7A;
	s5 =	simm.s32 @!p2 $0x0  }
0x1d: {  	s5 =	simm.s32 @p1 $0x1;
	p0 =	seq.s32 s7, s2  }
0x1e: {  	s7 =	smul.u32 @!p0 $0xF7A, s2;
	p2 =	seq.s32 @!p0 s5, $0x0  }
0x1f: {  	s9 =	smul.u32 $0xF7A, s1;
	s8 =	simm.s32 @!p0 $0x1BF5;
	p2 =	por !p2, p0  }
0x20: {  	[sflag:s8] =	ssyncset.s32 @!p0 $0xFFFFF086;
	s6 =	sadd.s32 @!p0 s3, s7;
	s7 =	simm.s32 @!p0 $0x108  }
0x21: {  	s3 =	sadd.s32 s3, s9;
	s6 =	sadd.s32 @!p0 $0x88, s6;
	s7 =	simm.s32 @p2 $0x1082  }
0x22: {  	[simem:s7], [sflag:s8] =	dma.local @!p0 [hbm:s6], $0xF7A  }
0x23: {  	s9 =	sor.u32 $0xD0000000, s2;
	s6 =	simm.s32 $0x108;
	_ =	swait.ge @!p0 [sflag:s8], $0x0  }
0x24: {  	s3 =	sadd.s32 $0x88, s3;
	s6 =	simm.s32 @!p1 $0x1082;
	[sflag:s4] =	ssyncset.s32 $0xFFFFF086  }
0x25: {  	[simem:s6], [sflag:s4] =	dma.local [hbm:s3], $0xF7A  }
0x26: {  	[smem:$0x3F94] =	sst s1;
	(tag) =	ssettag s2;
	_ =	strace s9  }
0x27: {  	s1 =	sld [smem:$0x3FA4]  }
0x28: {  	s2 =	sld [smem:$0x3FA5]  }
0x29: {  	s4 =	sld [smem:$0x3FA7]  }
0x2a: {  	p0 =	seq.s32 s5, $0x0;
	s5 =	sld [smem:$0x3FA8]  }
0x2b: {  	s6 =	sld [smem:$0x3FA9]  }
0x2c: {  	s7 =	sld [smem:$0x3FAA]  }
0x2d: {  	s3 =	simm.s32 $0x108;
	s8 =	sld [smem:$0x3FAB]  }
0x2e: {  	s3 =	simm.s32 @!p0 $0x1082;
	s9 =	sld [smem:$0x3FAC]  }
0x2f: {  	lr =	sadd.s32 s0, s3;
	s0 =	sld [smem:$0x3FA3]  }
0x30: {  	s3 =	sld [smem:$0x3FA6]  }
0x31: {  	[smem:$0x3FAF] =	sst s10  }
0x32: {  	s10 =	sld [smem:$0x3FAD];
	_ =	sdelay $0x3  }
0x33: {  	p0 =	seq.s32 s10, $0x1;
	s10 =	sld [smem:$0x3FAF];
	_ =	sdelay $0x3  }
0x34: {  	[smem:$0x3FAF] =	sst s10  }
0x35: {  	s10 =	sld [smem:$0x3FAE];
	_ =	sdelay $0x3  }
0x36: {  	p1 =	seq.s32 s10, $0x1;
	s10 =	sld [smem:$0x3FAF];
	_ =	sdelay $0x3  }
0x37: {  	[smem:$0x3FAF] =	sst s10  }
0x38: {  	s10 =	sld [smem:$0x3FB0]  }
0x39: {  	_ = 	snop;
	(pc) =	sbr.ind lr, $3  }
0x3a: {  	_ = 	snop  }
0x3b: {  	_ = 	snop  }
0x3c: {  	p2 =	seq.s32 s10, $0x1;
	s10 =	sld [smem:$0x3FAF]  }
0x3d: {  	_ =	shalt  }
0x3e: {  	_ =	shalt  }
0x3f: {  	_ =	shalt  }
0x40: {  	_ =	shalt  }
0x41: {  	_ =	shalt  }
0x42: {  	_ =	shalt  }
0x43: {  	_ =	shalt  }
0x44: {  	_ =	shalt  }
0x45: {  	_ =	shalt  }
0x46: {  	_ =	shalt  }
0x47: {  	_ =	shalt  }
0x48: {  	_ =	shalt  }
0x49: {  	_ =	shalt  }
0x4a: {  	_ =	shalt  }
0x4b: {  	_ =	shalt  }
0x4c: {  	_ =	shalt  }
0x4d: {  	_ =	shalt  }
0x4e: {  	_ =	shalt  }
0x4f: {  	_ =	shalt  }
0x50: {  	_ =	shalt  }
0x51: {  	_ =	shalt  }
0x52: {  	_ =	shalt  }
0x53: {  	_ =	shalt  }
0x54: {  	_ =	shalt  }
0x55: {  	_ =	shalt  }
0x56: {  	_ =	shalt  }
0x57: {  	_ =	shalt  }
0x58: {  	_ =	shalt  }
0x59: {  	_ =	shalt  }
0x5a: {  	_ =	shalt  }
0x5b: {  	_ =	shalt  }
0x5c: {  	_ =	shalt  }
0x5d: {  	_ =	shalt  }
0x5e: {  	_ =	shalt  }
0x5f: {  	_ =	shalt  }
0x60: {  	_ =	shalt  }
0x61: {  	_ =	shalt  }
0x62: {  	_ =	shalt  }
0x63: {  	_ =	shalt  }
0x64: {  	_ =	shalt  }
0x65: {  	_ =	shalt  }
0x66: {  	_ =	shalt  }
0x67: {  	_ =	shalt  }
0x68: {  	_ =	shalt  }
0x69: {  	_ =	shalt  }
0x6a: {  	_ =	shalt  }
0x6b: {  	_ =	shalt  }
0x6c: {  	_ =	shalt  }
0x6d: {  	_ =	shalt  }
0x6e: {  	_ =	shalt  }
0x6f: {  	_ =	shalt  }
0x70: {  	_ =	shalt  }
0x71: {  	_ =	shalt  }
0x72: {  	_ =	shalt  }
0x73: {  	_ =	shalt  }
0x74: {  	_ =	shalt  }
0x75: {  	_ =	shalt  }
0x76: {  	_ =	shalt  }
0x77: {  	_ =	shalt  }
0x78: {  	_ =	shalt  }
0x79: {  	_ =	shalt  }
0x7a: {  	_ =	shalt  }
0x7b: {  	_ =	shalt  }
0x7c: {  	_ =	shalt  }
0x7d: {  	_ =	shalt  }
0x7e: {  	_ =	shalt  }
0x7f: {  	_ =	shalt  }
0x80: {  	_ =	shalt  }
0x81: {  	_ =	shalt  }
0x82: {  	_ =	shalt  }
0x83: {  	_ =	shalt  }
0x84: {  	_ =	shalt  }
0x85: {  	_ =	shalt  }
0x86: {  	_ =	shalt  }
0x87: {  	_ =	shalt  }
.Lfunc_end0:
.L_simem_size_0:
called_computation_lowered:
.L_overlay_start_0:
0x88: {  	s2 =	sld [smem:$0x3FD9]  }
0x89: {  	s3 =	sld [smem:$0x3FFE];
	_ =	sdelay $0x1  }
0x8a: {  	s1 =	srdreg.scid  }
0x8b: {  	s0 =	sand.u32 $0x1, s1  }
0x8c: {  	s14 =	sshll.u32 s0, $0xA;
	s2 =	sadd.s32 s3, s2  }
0x8d: {  	s2 =	sadd.s32 s2, s14  }
0x8e: {  	[smem:$0x3FBB] =	sst s2  }
0x8f: {  	_ = 	snop  }
0x90: {  	s2 =	sld [smem:$0x3FD0];
	_ =	sdelay $0x2  }
0x91: {  	s15 =	simm.s32 $0xA;
	s4 =	simm.s32 $0x10  }
0x92: {  	[smem:s4], [sflag:s15] =	dma.local [hbm:s2], $0x1  }
0x93: {  	_ =	swait.eq [sflag:s15], $0x1  }
0x94: {  	[sflag:s15] =	ssyncset.done $0x0  }
0x95: {  	[sflag:s15] =	ssyncadd.s32 $0xFFFFFFFF  }
0x96: {  	s16 =	sld [smem:$0x13];
	(tm) =	ssettm $0x1  }
0x97: {  	s17 =	sld [smem:$0x3FFB];
	_ =	sdelay $0x3  }
0x98: {  	_ =	strace s17  }
0x99: {  	s3 =	sld [smem:$0x3FFC];
	_ =	sdelay $0x3  }
0x9a: {  	_ =	strace s3  }
0x9b: {  	s3 =	sld [smem:$0x3FFD];
	_ =	sdelay $0x3  }
0x9c: {  	_ =	strace s3  }
0x9d: {  	_ =	strace $0x8FFFFFFF  }
0x9e: {  	s18 =	sld [smem:$0x3FDB];
	_ =	sdelay $0x1  }
0x9f: {  	s19 =	simm.s32 $_scs_section_size  }
0xa0: {  	s5 =	simm.s32 $_size__tile_overlayer_lowered;
	s6 =	simm.s32 $_tile_overlayer_lowered  }
0xa1: {  	s22 =	simm.s32 $0x1BFF;
	s21 =	sshll.u32 s6, $0x1;
	s3 =	sadd.s32 s19, s18  }
0xa2: {  	s7 =	simm.s32 $0x0;
	s20 =	sshll.u32 s5, $0x1;
	s5 =	sadd.s32 s21, s3  }
0xa3: {  	[timem:s7], [sflag:s22] =	dma.local [hbm:s5], s20  }
0xa4: {  	_ =	swait.ge [sflag:s22], s20  }
0xa5: {  	s4 =	ssub.s32 $0x0, s20;
	[sflag:s22] =	ssyncset.done $0x0  }
0xa6: {  	[sflag:s22] =	ssyncadd.s32 s4;
	_ =	sdelay $0x1  }
0xa7: {  	s23 =	simm.s32 $0x1B8B  }
0xa8: {  	_ =	swait.ge [sflag:s23], $0x1  }
0xa9: {  	[sflag:s23] =	ssyncset.done $0x0  }
0xaa: {  	s25 =	simm.s32 $0x1B8E;
	s24 =	sld [smem:$0x3FFE];
	[sflag:s23] =	ssyncadd.s32 $0xFFFFFFFF  }
0xab: {  	s26 =	simm.s32 $execute0_lowered;
	[smem:$0x3FD2] =	sst s25  }
0xac: {  	s5 =	sshll.u32 s26, $0x1;
	_ =	strace $0x80000046;
	[dreg:$0x1] =	wrdreg $0xFFFFFFFF  }
0xad: {  	s28 =	simm.s32 $_size_execute0_lowered;
	s3 =	sadd.s32 s3, s5;
	[dreg:$0x0] =	wrdreg $0x0  }
0xae: {  	s5 =	sshll.u32 s28, $0x1;
	[dreg:$0x2] =	wrdreg s3  }
0xaf: {  	[dreg:$0x3] =	wrdreg s5  }
0xb0: {  	[dreg:$0x4] =	wrdreg $0xC0  }
0xb1: {  	_ =	task [dreg:s7], $0x5FFFF  }
0xb2: {  	[dreg:$0x1] =	wrdreg $0xFFFFFFFF  }
0xb3: {  	[dreg:$0x0] =	wrdreg $0x60  }
0xb4: {  	[dreg:$0x2] =	wrdreg s24  }
0xb5: {  	[dreg:$0x3] =	wrdreg s16  }
0xb6: {  	[dreg:$0x4] =	wrdreg $0x41000  }
0xb7: {  	[dreg:$0x5] =	wrdreg $0x9  }
0xb8: {  	_ =	task.clear_ibuf [dreg:s7], $0x6FFFF;
	_ =	strace $0x90000046  }
0xb9: {  	s29 =	simm.s32 $0x9;
	_ =	strace $0x80000048  }
0xba: {  	_ =	swait.ge [sflag:s29], $0x1  }
0xbb: {  	[sflag:s29] =	ssyncadd.s32 $0xFFFFFFFF  }
0xbc: {  	_ =	strace $0x90000048  }
0xbd: {  	_ =	sfence  }
0xbe: {  	s30 =	sld [smem:$0x0];
	_ =	sdelay $0x2  }
0xbf: {  	s31 =	sshll.u32 s1, $0xD;
	s1 =	sshrl.u32 s1, $0x2  }
0xc0: {  	s3 =	sand.u32 $0x4000, s31;
	s1 =	sadd.s32 s1, s30  }
0xc1: {  	s0 =	sor.u32 s3, s0;
	s1 =	sshll.u32 s1, $0x11  }
0xc2: {  	s0 =	sor.u32 s1, s0  }
0xc3: {  	s0 =	sadd.s32 $0x8F2B, s0  }
0xc4: {  	[sflag:s0] =	ssyncadd.remote.s32 $0x1  }
0xc5: {  	_ =	sfence.sel $0xFFFF  }
0xc6: {  	[dreg:$0x0] =	wrdreg $0xFFFFFFFF;
	(pc) =	sbr.abs _section_cstart, $3  }
0xc7: {  	[dreg:$0x1] =	wrdreg $0xFFFFFFFF  }
0xc8: {  	_ =	task.clear_ibuf [dreg:s7], $0x2FFFF;
	_ =	strace $0x9FFFFFFF  }
0xc9: {  	(tm) =	ssettm $0x7FFFFFFF  }
tec
execute0_lowered:
.L_overlay_start_1:
0x0: {  	(tag) =	ssettag $0x1  }
0x1: {  	s5 =	rddreg [dreg:$0x0]  }
0x2: {  	s12 =	rddreg [dreg:$0x1];
	s0 =	srdreg.scid  }
0x3: {  	s2 =	rddreg [dreg:$0x2];
	s1 =	stileid.u32;
	s3 =	simm.s32 $0x0  }
0x4: {  	s15 =	simm.s32 $0x80;
	s16 =	simm.s32 $0x1;
	s7 =	smul.u32 $0x2800, s1  }
0x5: {  	s10 =	sand.u32 $0x1, s0;
	s0 =	rddreg [dreg:$0x3];
	s8 =	smul.u32 $0x50000, s1  }
0x6: {  	s19 =	simm.s32 $0x0;
	[smem:$0x7FF] =	sst s3;
	s13 =	smul.u32 $0x13C0, s1  }
0x7: {  	s4 =	sadd.s32 $0x3400, s5;
	s17 =	sshll.u32 s1, $0x6;
	s6 =	smul.u32 $0x28000, s10  }
0x8: {  	_ =	strace $0x80000047;
	s9 =	ssub.s32 $0x2, s10;
	s14 =	smul.u32 $0x9E0, s10  }
0x9: {  	s17 =	sor.u32 $0x1C02, s17;
	s31 =	sshrl.u32 s9, $0x1;
	s8 =	sshrl.u32 s8, $0x2  }
0xa: {  	s12 =	sadd.s32 s13, s12;
	s13 =	simm.s32 $0x100;
	s6 =	sadd.s32 s7, s6  }
0xb: {  	s7 =	ssub.s32 s9, s31;
	s12 =	sadd.s32 s14, s12;
	s14 =	simm.s32 $0x2  }
0xc: {  	s6 =	sadd.s32 s6, s5;
	s5 =	sadd.s32 s8, s2;
	s7 =	smax.u32 s7, $0x1  }
0xd: {  	s6 =	sadd.s32 $0x53400, s6;
	s8 =	sadd.s32 $0x4000, s5;
	s9 =	sadd.s32 $0x8000, s5  }
0xe: {  	v0 =	vimm.f32 $0.0e+00;
	s10 =	sadd.s32 $0xC000, s5;
	s11 =	sadd.s32 $0x10000, s5;
	s18 =	sshrl.u32 s5, $0x3  }
.LBB2_1:
0xf: {  	s20 =	simm.s32 $0x0;
	s21 =	simm.s32 $0x200  }
.LBB2_2:
0x10: {  	p0 =	sne.s32 s21, $0xFE00;
	[tilespmem:s20+$0x170] =	vst v0  }
0x11: {  	[tilespmem:s20+$0x100] =	vst v0  }
0x12: {  	[tilespmem:s20+$0x110] =	vst v0  }
.Ltmp0:
0x13: {  	[tilespmem:s20+$0x120] =	vst v0;
	(pc) =	sbr.rel @p0 .LBB2_2-.Ltmp0, $4  }
0x14: {  	[tilespmem:s20+$0x130] =	vst v0  }
0x15: {  	[tilespmem:s20+$0x140] =	vst v0  }
0x16: {  	[tilespmem:s20+$0x150] =	vst v0  }
0x17: {  	[tilespmem:s20+$0x160] =	vst v0;
	s20 =	sshra.s32 s21, $0x2;
	s21 =	sadd.s32 $0x200, s21  }
0x18: {  	[tilespmem:s20+$0x170] =	vst v0  }
0x19: {  	[tilespmem:s20+$0x100] =	vst v0  }
0x1a: {  	[tilespmem:s20+$0x110] =	vst v0  }
0x1b: {  	[tilespmem:s20+$0x120] =	vst v0  }
0x1c: {  	[tilespmem:s20+$0x130] =	vst v0  }
0x1d: {  	[tilespmem:s20+$0x140] =	vst v0  }
0x1e: {  	[tilespmem:s20+$0x150] =	vst v0  }
0x1f: {  	[tilespmem:s20+$0x160] =	vst v0  }
0x20: {  	[spmem:s5] =	stream.linear.scatter [tilespmem:s13], [sflag:$0x2], $0x4000, $0x38;
	[tilespmem:$0x18100] =	vst v63  }
0x21: {  	_ =	swait.ge [sflag:s14], $0x4000  }
0x22: {  	[sflag:s14] =	ssyncset.done $0x0  }
0x23: {  	[sflag:s14] =	ssyncadd.s32 $0xFFFFC000  }
0x24: {  	[spmem:s8] =	stream.linear.scatter [tilespmem:s13], [sflag:$0x2], $0x4000, $0x38;
	[tilespmem:$0x18100] =	vst v63  }
0x25: {  	_ =	swait.ge [sflag:s14], $0x4000  }
0x26: {  	[sflag:s14] =	ssyncset.done $0x0  }
0x27: {  	[sflag:s14] =	ssyncadd.s32 $0xFFFFC000  }
0x28: {  	[spmem:s9] =	stream.linear.scatter [tilespmem:s13], [sflag:$0x2], $0x4000, $0x38;
	[tilespmem:$0x18100] =	vst v63  }
0x29: {  	_ =	swait.ge [sflag:s14], $0x4000  }
0x2a: {  	[sflag:s14] =	ssyncset.done $0x0  }
0x2b: {  	[sflag:s14] =	ssyncadd.s32 $0xFFFFC000  }
0x2c: {  	[spmem:s10] =	stream.linear.scatter [tilespmem:s13], [sflag:$0x2], $0x4000, $0x38;
	[tilespmem:$0x18100] =	vst v63  }
0x2d: {  	_ =	swait.ge [sflag:s14], $0x4000  }
0x2e: {  	[sflag:s14] =	ssyncset.done $0x0  }
0x2f: {  	[sflag:s14] =	ssyncadd.s32 $0xFFFFC000  }
0x30: {  	[spmem:s11] =	stream.linear.scatter [tilespmem:s13], [sflag:$0x2], $0x4000, $0x38;
	[tilespmem:$0x18100] =	vst v63  }
0x31: {  	_ =	swait.ge [sflag:s14], $0x4000  }
0x32: {  	[sflag:s14] =	ssyncset.done $0x0  }
0x33: {  	[sflag:s14] =	ssyncadd.s32 $0xFFFFC000  }
0x34: {  	s31 =	sadd.s32 $0x0, s12;
	[bflag:$0x0] =	sbarrier.arrive $0xFFFF  }
0x35: {  	[tilespmem:s3], [sflag:$0x2] =	stream.linear.gather [hbm4b:s31+s3], $0x100, $0x38;
	[tilespmem:$0x18100] =	vst v63  }
0x36: {  	_ =	swait.ge [sflag:s14], $0x100  }
0x37: {  	[sflag:s14] =	ssyncset.done $0x0  }
0x38: {  	[sflag:s14] =	ssyncadd.s32 $0xFFFFFF00  }
0x39: {  	[tilespmem:s13], [sflag:$0x1] =	stream.indirect.gather [hbm4b:s4+s15], $0x80, s3, s15, $0xb8;
	[tilespmem:$0x18100] =	vst v63  }
0x3a: {  	_ =	swait.ge [sflag:s16], $0x4000  }
0x3b: {  	[sflag:s16] =	ssyncset.done $0x0  }
0x3c: {  	[sflag:s16] =	ssyncadd.s32 $0xFFFFC000  }
0x3d: {  	[spmem:s2] =	stream.indirect.scatter.add.f32 [tilespmem:s13], [sflag:$0x2], $0x80, s15, s15, $0xb8;
	[tilespmem:$0x18100] =	vst v63  }
0x3e: {  	_ =	swait.ge [sflag:s14], $0x4000  }
0x3f: {  	s20 =	simm.s32 $0x20;
	s21 =	simm.s32 $0x40;
	[sflag:s14] =	ssyncset.done $0x0  }
.LBB2_4:
0x40: {  	s22 =	sadd.s32 s20, s12  }
0x41: {  	[sflag:s14] =	ssyncadd.s32 $0xFFFFC000;
	s20 =	smov.u32 s21;
	s23 =	sadd.s32 $0x20, s21  }
0x42: {  	[tilespmem:s3], [sflag:$0x2] =	stream.linear.gather [hbm4b:s22+s3], $0x100, $0x38;
	[tilespmem:$0x18100] =	vst v63  }
0x43: {  	p0 =	sne.s32 s21, $0x9C0;
	_ =	swait.ge [sflag:s14], $0x100  }
0x44: {  	[sflag:s14] =	ssyncset.done $0x0  }
0x45: {  	[sflag:s14] =	ssyncadd.s32 $0xFFFFFF00  }
0x46: {  	[tilespmem:s13], [sflag:$0x1] =	stream.indirect.gather [hbm4b:s4+s15], $0x80, s3, s15, $0xb8;
	[tilespmem:$0x18100] =	vst v63  }
0x47: {  	_ =	swait.ge [sflag:s16], $0x4000  }
.Ltmp1:
0x48: {  	[sflag:s16] =	ssyncset.done $0x0;
	(pc) =	sbr.rel @p0 .LBB2_4-.Ltmp1, $4  }
0x49: {  	[sflag:s16] =	ssyncadd.s32 $0xFFFFC000  }
0x4a: {  	[spmem:s2] =	stream.indirect.scatter.add.f32 [tilespmem:s13], [sflag:$0x2], $0x80, s15, s15, $0xb8;
	[tilespmem:$0x18100] =	vst v63  }
0x4b: {  	_ =	swait.ge [sflag:s14], $0x4000  }
0x4c: {  	s21 =	smov.u32 s23;
	[sflag:s14] =	ssyncset.done $0x0  }
0x4d: {  	s20 =	sadd.s32 s20, s12;
	[sflag:s14] =	ssyncadd.s32 $0xFFFFC000  }
0x4e: {  	[tilespmem:s3], [sflag:$0x2] =	stream.linear.gather [hbm4b:s20+s3], $0x100, $0x38;
	[tilespmem:$0x18100] =	vst v63  }
0x4f: {  	_ =	swait.ge [sflag:s14], $0x100  }
0x50: {  	[sflag:s14] =	ssyncset.done $0x0  }
0x51: {  	[sflag:s14] =	ssyncadd.s32 $0xFFFFFF00  }
0x52: {  	[tilespmem:s13], [sflag:$0x1] =	stream.indirect.gather [hbm4b:s4+s15], $0x80, s3, s15, $0xb8;
	[tilespmem:$0x18100] =	vst v63  }
0x53: {  	_ =	swait.ge [sflag:s16], $0x4000  }
0x54: {  	[sflag:s16] =	ssyncset.done $0x0  }
0x55: {  	[sflag:s16] =	ssyncadd.s32 $0xFFFFC000  }
0x56: {  	[spmem:s2] =	stream.indirect.scatter.add.f32 [tilespmem:s13], [sflag:$0x2], $0x80, s15, s15, $0xb8;
	[tilespmem:$0x18100] =	vst v63  }
0x57: {  	_ =	swait.ge [sflag:s14], $0x4000  }
0x58: {  	s19 =	sadd.s32 $0x1, s19;
	[sflag:s14] =	ssyncset.done $0x0  }
0x59: {  	p0 =	sne.s32 s19, s7;
	[sflag:s14] =	ssyncadd.s32 $0xFFFFC000  }
.Ltmp2:
0x5a: {  	[bflag:$0x0] =	sbarrier.arrive $0xFFFF;
	(pc) =	sbr.rel @p0 .LBB2_1-.Ltmp2, $4  }
0x5b: {  	[hbm:s6], [sflag:s17] =	dma.local [spmem:s18], $0x2800  }
0x5c: {  	_ =	swait.ge [sflag:s14], $0x2800  }
0x5d: {  	[sflag:s14] =	ssyncset.done $0x0  }
0x5e: {  	[sflag:s14] =	ssyncadd.s32 $0xFFFFD800  }
0x5f: {  	_ =	sfence.sel $0x180000  }
0x60: {  	[bflag:$0x0] =	sbarrier.arrive $0xFFFF  }
0x61: {  	p0 =	sne.s32 s1, $0x0;
	_ =	strace $0x90000047  }
0x62: {  	s0 =	sadd.s32 @!p0 $0x100000, s0;
	[bflag:$0x2] =	sbarrier.arrive $0xFFFF  }
0x63: {  	[sflag:s0] =	ssyncadd.tile.s32 @!p0 $0x1;
	_ =	shalt  }
.Lfunc_end2:
_tile_overlayer_lowered:
.L_overlay_start_2:
0x64: {  	(tag) =	ssettag $0x2  }
0x65: {  	s0 =	rddreg [dreg:$0x0];
	s2 =	stileid.u32  }
0x66: {  	s1 =	rddreg [dreg:$0x1];
	p0 =	sne.s32 s2, $0x0  }
0x67: {  	s3 =	rddreg [dreg:$0x2];
	[bflag:$0x3] =	sbarrier.arrive $0xFFFF;
	s2 =	simm.s32 @!p0 $0x1C02  }
0x68: {  	[timem:s3], [sflag:s2] =	dma.local @!p0 [hbm:s0], s1  }
0x69: {  	s0 =	simm.s32 @!p0 $0x2  }
0x6a: {  	_ =	swait.ge @!p0 [sflag:s0], s1  }
0x6b: {  	s1 =	ssub.s32 @!p0 $0x0, s1;
	[sflag:s0] =	ssyncset.done @!p0 $0x0  }
0x6c: {  	[sflag:s0] =	ssyncadd.s32 @!p0 s1  }
0x6d: {  	[bflag:$0x3] =	sbarrier.arrive $0xFFFF  }
0x6e: {  	_ =	shalt  }

// kernel: kernel.16.cloned.1.call-start
scs
__scs_entry_jumppad:
0x0: {  	(pc) =	sbr.rel $0x88, $3  }
0x1: {  	(tag) =	ssettag $0x0;
	lr =	simm.s32 $0x1  }
0x2: {  	[smem:$0x3F94] =	sst lr;
	_ =	strace $0xD0000000  }
0x3: {  	_ = 	snop  }
0x4: {  	_ = 	snop  }
0x5: {  	_ = 	snop  }
0x6: {  	_ = 	snop  }
0x7: {  	_ = 	snop  }
__scs_overlays_trampoline_lowered:
0x8: {  	[smem:$0x3FA3] =	sst s0  }
0x9: {  	[smem:$0x3FA4] =	sst s1  }
0xa: {  	[smem:$0x3FA5] =	sst s2  }
0xb: {  	[smem:$0x3FA6] =	sst s3  }
0xc: {  	[smem:$0x3FA7] =	sst s4  }
0xd: {  	[smem:$0x3FA8] =	sst s5  }
0xe: {  	[smem:$0x3FA9] =	sst s6  }
0xf: {  	[smem:$0x3FAA] =	sst s7  }
0x10: {  	[smem:$0x3FAB] =	sst s8  }
0x11: {  	[smem:$0x3FAC] =	sst s9;
	s0 =	simm.s32 @!p0 $0x0  }
0x12: {  	s1 =	sld [smem:$0x3F92];
	s0 =	simm.s32 @p0 $0x1  }
0x13: {  	[smem:$0x3FAD] =	sst s0;
	s0 =	simm.s32 @!p1 $0x0  }
0x14: {  	s2 =	sld [smem:$0x3F91];
	s0 =	simm.s32 @p1 $0x1  }
0x15: {  	[smem:$0x3FAE] =	sst s0;
	s0 =	simm.s32 @!p2 $0x0  }
0x16: {  	s3 =	sld [smem:$0x3FDB];
	s0 =	simm.s32 @p2 $0x1  }
0x17: {  	s4 =	simm.s32 $0x1BF5;
	[smem:$0x3FB0] =	sst s0  }
0x18: {  	s0 =	sld [smem:$0x3F93];
	_ =	swait.ge [sflag:s4], $0x0  }
0x19: {  	s7 =	sld [smem:$0x3F94]  }
0x1a: {  	s8 =	sadd.s32 $0xFFFFE003, lr  }
0x1b: {  	s9 =	sadd.s32 $0xFFFFFEF7, lr;
	s5 =	simm.s32 $0xFFFFFFFF;
	p2 =	slt.u32 s8, $0xFFFFF086  }
0x1c: {  	p1 =	slt.u32 s9, $0xF7A;
	s5 =	simm.s32 @!p2 $0x0  }
0x1d: {  	s5 =	simm.s32 @p1 $0x1;
	p0 =	seq.s32 s7, s2  }
0x1e: {  	s7 =	smul.u32 @!p0 $0xF7A, s2;
	p2 =	seq.s32 @!p0 s5, $0x0  }
0x1f: {  	s9 =	smul.u32 $0xF7A, s1;
	s8 =	simm.s32 @!p0 $0x1BF5;
	p2 =	por !p2, p0  }
0x20: {  	[sflag:s8] =	ssyncset.s32 @!p0 $0xFFFFF086;
	s6 =	sadd.s32 @!p0 s3, s7;
	s7 =	simm.s32 @!p0 $0x108  }
0x21: {  	s3 =	sadd.s32 s3, s9;
	s6 =	sadd.s32 @!p0 $0x88, s6;
	s7 =	simm.s32 @p2 $0x1082  }
0x22: {  	[simem:s7], [sflag:s8] =	dma.local @!p0 [hbm:s6], $0xF7A  }
0x23: {  	s9 =	sor.u32 $0xD0000000, s2;
	s6 =	simm.s32 $0x108;
	_ =	swait.ge @!p0 [sflag:s8], $0x0  }
0x24: {  	s3 =	sadd.s32 $0x88, s3;
	s6 =	simm.s32 @!p1 $0x1082;
	[sflag:s4] =	ssyncset.s32 $0xFFFFF086  }
0x25: {  	[simem:s6], [sflag:s4] =	dma.local [hbm:s3], $0xF7A  }
0x26: {  	[smem:$0x3F94] =	sst s1;
	(tag) =	ssettag s2;
	_ =	strace s9  }
0x27: {  	s1 =	sld [smem:$0x3FA4]  }
0x28: {  	s2 =	sld [smem:$0x3FA5]  }
0x29: {  	s4 =	sld [smem:$0x3FA7]  }
0x2a: {  	p0 =	seq.s32 s5, $0x0;
	s5 =	sld [smem:$0x3FA8]  }
0x2b: {  	s6 =	sld [smem:$0x3FA9]  }
0x2c: {  	s7 =	sld [smem:$0x3FAA]  }
0x2d: {  	s3 =	simm.s32 $0x108;
	s8 =	sld [smem:$0x3FAB]  }
0x2e: {  	s3 =	simm.s32 @!p0 $0x1082;
	s9 =	sld [smem:$0x3FAC]  }
0x2f: {  	lr =	sadd.s32 s0, s3;
	s0 =	sld [smem:$0x3FA3]  }
0x30: {  	s3 =	sld [smem:$0x3FA6]  }
0x31: {  	[smem:$0x3FAF] =	sst s10  }
0x32: {  	s10 =	sld [smem:$0x3FAD];
	_ =	sdelay $0x3  }
0x33: {  	p0 =	seq.s32 s10, $0x1;
	s10 =	sld [smem:$0x3FAF];
	_ =	sdelay $0x3  }
0x34: {  	[smem:$0x3FAF] =	sst s10  }
0x35: {  	s10 =	sld [smem:$0x3FAE];
	_ =	sdelay $0x3  }
0x36: {  	p1 =	seq.s32 s10, $0x1;
	s10 =	sld [smem:$0x3FAF];
	_ =	sdelay $0x3  }
0x37: {  	[smem:$0x3FAF] =	sst s10  }
0x38: {  	s10 =	sld [smem:$0x3FB0]  }
0x39: {  	_ = 	snop;
	(pc) =	sbr.ind lr, $3  }
0x3a: {  	_ = 	snop  }
0x3b: {  	_ = 	snop  }
0x3c: {  	p2 =	seq.s32 s10, $0x1;
	s10 =	sld [smem:$0x3FAF]  }
0x3d: {  	_ =	shalt  }
0x3e: {  	_ =	shalt  }
0x3f: {  	_ =	shalt  }
0x40: {  	_ =	shalt  }
0x41: {  	_ =	shalt  }
0x42: {  	_ =	shalt  }
0x43: {  	_ =	shalt  }
0x44: {  	_ =	shalt  }
0x45: {  	_ =	shalt  }
0x46: {  	_ =	shalt  }
0x47: {  	_ =	shalt  }
0x48: {  	_ =	shalt  }
0x49: {  	_ =	shalt  }
0x4a: {  	_ =	shalt  }
0x4b: {  	_ =	shalt  }
0x4c: {  	_ =	shalt  }
0x4d: {  	_ =	shalt  }
0x4e: {  	_ =	shalt  }
0x4f: {  	_ =	shalt  }
0x50: {  	_ =	shalt  }
0x51: {  	_ =	shalt  }
0x52: {  	_ =	shalt  }
0x53: {  	_ =	shalt  }
0x54: {  	_ =	shalt  }
0x55: {  	_ =	shalt  }
0x56: {  	_ =	shalt  }
0x57: {  	_ =	shalt  }
0x58: {  	_ =	shalt  }
0x59: {  	_ =	shalt  }
0x5a: {  	_ =	shalt  }
0x5b: {  	_ =	shalt  }
0x5c: {  	_ =	shalt  }
0x5d: {  	_ =	shalt  }
0x5e: {  	_ =	shalt  }
0x5f: {  	_ =	shalt  }
0x60: {  	_ =	shalt  }
0x61: {  	_ =	shalt  }
0x62: {  	_ =	shalt  }
0x63: {  	_ =	shalt  }
0x64: {  	_ =	shalt  }
0x65: {  	_ =	shalt  }
0x66: {  	_ =	shalt  }
0x67: {  	_ =	shalt  }
0x68: {  	_ =	shalt  }
0x69: {  	_ =	shalt  }
0x6a: {  	_ =	shalt  }
0x6b: {  	_ =	shalt  }
0x6c: {  	_ =	shalt  }
0x6d: {  	_ =	shalt  }
0x6e: {  	_ =	shalt  }
0x6f: {  	_ =	shalt  }
0x70: {  	_ =	shalt  }
0x71: {  	_ =	shalt  }
0x72: {  	_ =	shalt  }
0x73: {  	_ =	shalt  }
0x74: {  	_ =	shalt  }
0x75: {  	_ =	shalt  }
0x76: {  	_ =	shalt  }
0x77: {  	_ =	shalt  }
0x78: {  	_ =	shalt  }
0x79: {  	_ =	shalt  }
0x7a: {  	_ =	shalt  }
0x7b: {  	_ =	shalt  }
0x7c: {  	_ =	shalt  }
0x7d: {  	_ =	shalt  }
0x7e: {  	_ =	shalt  }
0x7f: {  	_ =	shalt  }
0x80: {  	_ =	shalt  }
0x81: {  	_ =	shalt  }
0x82: {  	_ =	shalt  }
0x83: {  	_ =	shalt  }
0x84: {  	_ =	shalt  }
0x85: {  	_ =	shalt  }
0x86: {  	_ =	shalt  }
0x87: {  	_ =	shalt  }
.Lfunc_end0:
.L_simem_size_0:
called_computation.1_lowered:
.L_overlay_start_0:
0x88: {  	s2 =	sld [smem:$0x3FD9]  }
0x89: {  	s3 =	sld [smem:$0x3FFE];
	_ =	sdelay $0x1  }
0x8a: {  	s1 =	srdreg.scid  }
0x8b: {  	s0 =	sand.u32 $0x1, s1  }
0x8c: {  	s14 =	sshll.u32 s0, $0xA;
	s2 =	sadd.s32 s3, s2  }
0x8d: {  	s2 =	sadd.s32 s2, s14  }
0x8e: {  	[smem:$0x3FBB] =	sst s2  }
0x8f: {  	_ = 	snop  }
0x90: {  	s2 =	sld [smem:$0x3FD0];
	_ =	sdelay $0x2  }
0x91: {  	s15 =	simm.s32 $0xA;
	s4 =	simm.s32 $0x10  }
0x92: {  	[smem:s4], [sflag:s15] =	dma.local [hbm:s2], $0x1  }
0x93: {  	_ =	swait.eq [sflag:s15], $0x1  }
0x94: {  	[sflag:s15] =	ssyncset.done $0x0  }
0x95: {  	[sflag:s15] =	ssyncadd.s32 $0xFFFFFFFF  }
0x96: {  	s16 =	sld [smem:$0x13];
	(tm) =	ssettm $0x1  }
0x97: {  	s17 =	sld [smem:$0x3FFB];
	_ =	sdelay $0x3  }
0x98: {  	_ =	strace s17  }
0x99: {  	s3 =	sld [smem:$0x3FFC];
	_ =	sdelay $0x3  }
0x9a: {  	_ =	strace s3  }
0x9b: {  	s3 =	sld [smem:$0x3FFD];
	_ =	sdelay $0x3  }
0x9c: {  	_ =	strace s3  }
0x9d: {  	_ =	strace $0x8FFFFFFF  }
0x9e: {  	s18 =	sld [smem:$0x3FDB];
	_ =	sdelay $0x1  }
0x9f: {  	s19 =	simm.s32 $_scs_section_size  }
0xa0: {  	s5 =	simm.s32 $_size__tile_overlayer_lowered;
	s6 =	simm.s32 $_tile_overlayer_lowered  }
0xa1: {  	s22 =	simm.s32 $0x1BFF;
	s21 =	sshll.u32 s6, $0x1;
	s3 =	sadd.s32 s19, s18  }
0xa2: {  	s7 =	simm.s32 $0x0;
	s20 =	sshll.u32 s5, $0x1;
	s5 =	sadd.s32 s21, s3  }
0xa3: {  	[timem:s7], [sflag:s22] =	dma.local [hbm:s5], s20  }
0xa4: {  	_ =	swait.ge [sflag:s22], s20  }
0xa5: {  	s4 =	ssub.s32 $0x0, s20;
	[sflag:s22] =	ssyncset.done $0x0  }
0xa6: {  	[sflag:s22] =	ssyncadd.s32 s4;
	_ =	sdelay $0x1  }
0xa7: {  	s23 =	simm.s32 $0x1B8B  }
0xa8: {  	_ =	swait.ge [sflag:s23], $0x1  }
0xa9: {  	[sflag:s23] =	ssyncset.done $0x0  }
0xaa: {  	s25 =	simm.s32 $0x1B8E;
	s24 =	sld [smem:$0x3FFE];
	[sflag:s23] =	ssyncadd.s32 $0xFFFFFFFF  }
0xab: {  	s26 =	simm.s32 $execute0_lowered;
	[smem:$0x3FD2] =	sst s25  }
0xac: {  	s5 =	sshll.u32 s26, $0x1;
	_ =	strace $0x80000049;
	[dreg:$0x1] =	wrdreg $0xFFFFFFFF  }
0xad: {  	s28 =	simm.s32 $_size_execute0_lowered;
	s3 =	sadd.s32 s3, s5;
	[dreg:$0x0] =	wrdreg $0x0  }
0xae: {  	s5 =	sshll.u32 s28, $0x1;
	[dreg:$0x2] =	wrdreg s3  }
0xaf: {  	[dreg:$0x3] =	wrdreg s5  }
0xb0: {  	[dreg:$0x4] =	wrdreg $0xC0  }
0xb1: {  	_ =	task [dreg:s7], $0x5FFFF  }
0xb2: {  	[dreg:$0x1] =	wrdreg $0xFFFFFFFF  }
0xb3: {  	[dreg:$0x0] =	wrdreg $0x60  }
0xb4: {  	[dreg:$0x2] =	wrdreg s24  }
0xb5: {  	[dreg:$0x3] =	wrdreg s16  }
0xb6: {  	[dreg:$0x4] =	wrdreg $0x41000  }
0xb7: {  	[dreg:$0x5] =	wrdreg $0x9  }
0xb8: {  	_ =	task.clear_ibuf [dreg:s7], $0x6FFFF;
	_ =	strace $0x90000049  }
0xb9: {  	s29 =	simm.s32 $0x9;
	_ =	strace $0x8000004B  }
0xba: {  	_ =	swait.ge [sflag:s29], $0x1  }
0xbb: {  	[sflag:s29] =	ssyncadd.s32 $0xFFFFFFFF  }
0xbc: {  	_ =	strace $0x9000004B  }
0xbd: {  	_ =	sfence  }
0xbe: {  	s30 =	sld [smem:$0x0];
	_ =	sdelay $0x2  }
0xbf: {  	s31 =	sshll.u32 s1, $0xD;
	s1 =	sshrl.u32 s1, $0x2  }
0xc0: {  	s3 =	sand.u32 $0x4000, s31;
	s1 =	sadd.s32 s1, s30  }
0xc1: {  	s0 =	sor.u32 s3, s0;
	s1 =	sshll.u32 s1, $0x11  }
0xc2: {  	s0 =	sor.u32 s1, s0  }
0xc3: {  	s0 =	sadd.s32 $0x8F2B, s0  }
0xc4: {  	[sflag:s0] =	ssyncadd.remote.s32 $0x1  }
0xc5: {  	_ =	sfence.sel $0xFFFF  }
0xc6: {  	[dreg:$0x0] =	wrdreg $0xFFFFFFFF;
	(pc) =	sbr.abs _section_cstart, $3  }
0xc7: {  	[dreg:$0x1] =	wrdreg $0xFFFFFFFF  }
0xc8: {  	_ =	task.clear_ibuf [dreg:s7], $0x2FFFF;
	_ =	strace $0x9FFFFFFF  }
0xc9: {  	(tm) =	ssettm $0x7FFFFFFF  }
tec
execute0_lowered:
.L_overlay_start_1:
0x0: {  	(tag) =	ssettag $0x1  }
0x1: {  	s5 =	rddreg [dreg:$0x0]  }
0x2: {  	s12 =	rddreg [dreg:$0x1];
	s0 =	srdreg.scid  }
0x3: {  	s2 =	rddreg [dreg:$0x2];
	s1 =	stileid.u32;
	s3 =	simm.s32 $0x0  }
0x4: {  	s15 =	simm.s32 $0x80;
	s16 =	simm.s32 $0x1;
	s7 =	smul.u32 $0x2800, s1  }
0x5: {  	s10 =	sand.u32 $0x1, s0;
	s0 =	rddreg [dreg:$0x3];
	s8 =	smul.u32 $0x50000, s1  }
0x6: {  	s19 =	simm.s32 $0x0;
	[smem:$0x7FF] =	sst s3;
	s13 =	smul.u32 $0x13C0, s1  }
0x7: {  	s4 =	sadd.s32 $0x3400, s5;
	s17 =	sshll.u32 s1, $0x6;
	s6 =	smul.u32 $0x28000, s10  }
0x8: {  	_ =	strace $0x8000004A;
	s9 =	ssub.s32 $0x2, s10;
	s14 =	smul.u32 $0x9E0, s10  }
0x9: {  	s17 =	sor.u32 $0x1C02, s17;
	s31 =	sshrl.u32 s9, $0x1;
	s8 =	sshrl.u32 s8, $0x2  }
0xa: {  	s12 =	sadd.s32 s13, s12;
	s13 =	simm.s32 $0x100;
	s6 =	sadd.s32 s7, s6  }
0xb: {  	s7 =	ssub.s32 s9, s31;
	s12 =	sadd.s32 s14, s12;
	s14 =	simm.s32 $0x2  }
0xc: {  	s6 =	sadd.s32 s6, s5;
	s5 =	sadd.s32 s8, s2;
	s7 =	smax.u32 s7, $0x1  }
0xd: {  	s6 =	sadd.s32 $0x53400, s6;
	s8 =	sadd.s32 $0x4000, s5;
	s9 =	sadd.s32 $0x8000, s5  }
0xe: {  	v0 =	vimm.f32 $0.0e+00;
	s10 =	sadd.s32 $0xC000, s5;
	s11 =	sadd.s32 $0x10000, s5;
	s18 =	sshrl.u32 s5, $0x3  }
.LBB2_1:
0xf: {  	s20 =	simm.s32 $0x0;
	s21 =	simm.s32 $0x200  }
.LBB2_2:
0x10: {  	p0 =	sne.s32 s21, $0xFE00;
	[tilespmem:s20+$0x170] =	vst v0  }
0x11: {  	[tilespmem:s20+$0x100] =	vst v0  }
0x12: {  	[tilespmem:s20+$0x110] =	vst v0  }
.Ltmp0:
0x13: {  	[tilespmem:s20+$0x120] =	vst v0;
	(pc) =	sbr.rel @p0 .LBB2_2-.Ltmp0, $4  }
0x14: {  	[tilespmem:s20+$0x130] =	vst v0  }
0x15: {  	[tilespmem:s20+$0x140] =	vst v0  }
0x16: {  	[tilespmem:s20+$0x150] =	vst v0  }
0x17: {  	[tilespmem:s20+$0x160] =	vst v0;
	s20 =	sshra.s32 s21, $0x2;
	s21 =	sadd.s32 $0x200, s21  }
0x18: {  	[tilespmem:s20+$0x170] =	vst v0  }
0x19: {  	[tilespmem:s20+$0x100] =	vst v0  }
0x1a: {  	[tilespmem:s20+$0x110] =	vst v0  }
0x1b: {  	[tilespmem:s20+$0x120] =	vst v0  }
0x1c: {  	[tilespmem:s20+$0x130] =	vst v0  }
0x1d: {  	[tilespmem:s20+$0x140] =	vst v0  }
0x1e: {  	[tilespmem:s20+$0x150] =	vst v0  }
0x1f: {  	[tilespmem:s20+$0x160] =	vst v0  }
0x20: {  	[spmem:s5] =	stream.linear.scatter [tilespmem:s13], [sflag:$0x2], $0x4000, $0x38;
	[tilespmem:$0x18100] =	vst v63  }
0x21: {  	_ =	swait.ge [sflag:s14], $0x4000  }
0x22: {  	[sflag:s14] =	ssyncset.done $0x0  }
0x23: {  	[sflag:s14] =	ssyncadd.s32 $0xFFFFC000  }
0x24: {  	[spmem:s8] =	stream.linear.scatter [tilespmem:s13], [sflag:$0x2], $0x4000, $0x38;
	[tilespmem:$0x18100] =	vst v63  }
0x25: {  	_ =	swait.ge [sflag:s14], $0x4000  }
0x26: {  	[sflag:s14] =	ssyncset.done $0x0  }
0x27: {  	[sflag:s14] =	ssyncadd.s32 $0xFFFFC000  }
0x28: {  	[spmem:s9] =	stream.linear.scatter [tilespmem:s13], [sflag:$0x2], $0x4000, $0x38;
	[tilespmem:$0x18100] =	vst v63  }
0x29: {  	_ =	swait.ge [sflag:s14], $0x4000  }
0x2a: {  	[sflag:s14] =	ssyncset.done $0x0  }
0x2b: {  	[sflag:s14] =	ssyncadd.s32 $0xFFFFC000  }
0x2c: {  	[spmem:s10] =	stream.linear.scatter [tilespmem:s13], [sflag:$0x2], $0x4000, $0x38;
	[tilespmem:$0x18100] =	vst v63  }
0x2d: {  	_ =	swait.ge [sflag:s14], $0x4000  }
0x2e: {  	[sflag:s14] =	ssyncset.done $0x0  }
0x2f: {  	[sflag:s14] =	ssyncadd.s32 $0xFFFFC000  }
0x30: {  	[spmem:s11] =	stream.linear.scatter [tilespmem:s13], [sflag:$0x2], $0x4000, $0x38;
	[tilespmem:$0x18100] =	vst v63  }
0x31: {  	_ =	swait.ge [sflag:s14], $0x4000  }
0x32: {  	[sflag:s14] =	ssyncset.done $0x0  }
0x33: {  	[sflag:s14] =	ssyncadd.s32 $0xFFFFC000  }
0x34: {  	s31 =	sadd.s32 $0x0, s12;
	[bflag:$0x0] =	sbarrier.arrive $0xFFFF  }
0x35: {  	[tilespmem:s3], [sflag:$0x2] =	stream.linear.gather [hbm4b:s31+s3], $0x100, $0x38;
	[tilespmem:$0x18100] =	vst v63  }
0x36: {  	_ =	swait.ge [sflag:s14], $0x100  }
0x37: {  	[sflag:s14] =	ssyncset.done $0x0  }
0x38: {  	[sflag:s14] =	ssyncadd.s32 $0xFFFFFF00  }
0x39: {  	[tilespmem:s13], [sflag:$0x1] =	stream.indirect.gather [hbm4b:s4+s15], $0x80, s3, s15, $0xb8;
	[tilespmem:$0x18100] =	vst v63  }
0x3a: {  	_ =	swait.ge [sflag:s16], $0x4000  }
0x3b: {  	[sflag:s16] =	ssyncset.done $0x0  }
0x3c: {  	[sflag:s16] =	ssyncadd.s32 $0xFFFFC000  }
0x3d: {  	[spmem:s2] =	stream.indirect.scatter.add.f32 [tilespmem:s13], [sflag:$0x2], $0x80, s15, s15, $0xb8;
	[tilespmem:$0x18100] =	vst v63  }
0x3e: {  	_ =	swait.ge [sflag:s14], $0x4000  }
0x3f: {  	s20 =	simm.s32 $0x20;
	s21 =	simm.s32 $0x40;
	[sflag:s14] =	ssyncset.done $0x0  }
.LBB2_4:
0x40: {  	s22 =	sadd.s32 s20, s12  }
0x41: {  	[sflag:s14] =	ssyncadd.s32 $0xFFFFC000;
	s20 =	smov.u32 s21;
	s23 =	sadd.s32 $0x20, s21  }
0x42: {  	[tilespmem:s3], [sflag:$0x2] =	stream.linear.gather [hbm4b:s22+s3], $0x100, $0x38;
	[tilespmem:$0x18100] =	vst v63  }
0x43: {  	p0 =	sne.s32 s21, $0x9C0;
	_ =	swait.ge [sflag:s14], $0x100  }
0x44: {  	[sflag:s14] =	ssyncset.done $0x0  }
0x45: {  	[sflag:s14] =	ssyncadd.s32 $0xFFFFFF00  }
0x46: {  	[tilespmem:s13], [sflag:$0x1] =	stream.indirect.gather [hbm4b:s4+s15], $0x80, s3, s15, $0xb8;
	[tilespmem:$0x18100] =	vst v63  }
0x47: {  	_ =	swait.ge [sflag:s16], $0x4000  }
.Ltmp1:
0x48: {  	[sflag:s16] =	ssyncset.done $0x0;
	(pc) =	sbr.rel @p0 .LBB2_4-.Ltmp1, $4  }
0x49: {  	[sflag:s16] =	ssyncadd.s32 $0xFFFFC000  }
0x4a: {  	[spmem:s2] =	stream.indirect.scatter.add.f32 [tilespmem:s13], [sflag:$0x2], $0x80, s15, s15, $0xb8;
	[tilespmem:$0x18100] =	vst v63  }
0x4b: {  	_ =	swait.ge [sflag:s14], $0x4000  }
0x4c: {  	s21 =	smov.u32 s23;
	[sflag:s14] =	ssyncset.done $0x0  }
0x4d: {  	s20 =	sadd.s32 s20, s12;
	[sflag:s14] =	ssyncadd.s32 $0xFFFFC000  }
0x4e: {  	[tilespmem:s3], [sflag:$0x2] =	stream.linear.gather [hbm4b:s20+s3], $0x100, $0x38;
	[tilespmem:$0x18100] =	vst v63  }
0x4f: {  	_ =	swait.ge [sflag:s14], $0x100  }
0x50: {  	[sflag:s14] =	ssyncset.done $0x0  }
0x51: {  	[sflag:s14] =	ssyncadd.s32 $0xFFFFFF00  }
0x52: {  	[tilespmem:s13], [sflag:$0x1] =	stream.indirect.gather [hbm4b:s4+s15], $0x80, s3, s15, $0xb8;
	[tilespmem:$0x18100] =	vst v63  }
0x53: {  	_ =	swait.ge [sflag:s16], $0x4000  }
0x54: {  	[sflag:s16] =	ssyncset.done $0x0  }
0x55: {  	[sflag:s16] =	ssyncadd.s32 $0xFFFFC000  }
0x56: {  	[spmem:s2] =	stream.indirect.scatter.add.f32 [tilespmem:s13], [sflag:$0x2], $0x80, s15, s15, $0xb8;
	[tilespmem:$0x18100] =	vst v63  }
0x57: {  	_ =	swait.ge [sflag:s14], $0x4000  }
0x58: {  	s19 =	sadd.s32 $0x1, s19;
	[sflag:s14] =	ssyncset.done $0x0  }
0x59: {  	p0 =	sne.s32 s19, s7;
	[sflag:s14] =	ssyncadd.s32 $0xFFFFC000  }
.Ltmp2:
0x5a: {  	[bflag:$0x0] =	sbarrier.arrive $0xFFFF;
	(pc) =	sbr.rel @p0 .LBB2_1-.Ltmp2, $4  }
0x5b: {  	[hbm:s6], [sflag:s17] =	dma.local [spmem:s18], $0x2800  }
0x5c: {  	_ =	swait.ge [sflag:s14], $0x2800  }
0x5d: {  	[sflag:s14] =	ssyncset.done $0x0  }
0x5e: {  	[sflag:s14] =	ssyncadd.s32 $0xFFFFD800  }
0x5f: {  	_ =	sfence.sel $0x180000  }
0x60: {  	[bflag:$0x0] =	sbarrier.arrive $0xFFFF  }
0x61: {  	p0 =	sne.s32 s1, $0x0;
	_ =	strace $0x9000004A  }
0x62: {  	s0 =	sadd.s32 @!p0 $0x100000, s0;
	[bflag:$0x2] =	sbarrier.arrive $0xFFFF  }
0x63: {  	[sflag:s0] =	ssyncadd.tile.s32 @!p0 $0x1;
	_ =	shalt  }
.Lfunc_end2:
_tile_overlayer_lowered:
.L_overlay_start_2:
0x64: {  	(tag) =	ssettag $0x2  }
0x65: {  	s0 =	rddreg [dreg:$0x0];
	s2 =	stileid.u32  }
0x66: {  	s1 =	rddreg [dreg:$0x1];
	p0 =	sne.s32 s2, $0x0  }
0x67: {  	s3 =	rddreg [dreg:$0x2];
	[bflag:$0x3] =	sbarrier.arrive $0xFFFF;
	s2 =	simm.s32 @!p0 $0x1C02  }
0x68: {  	[timem:s3], [sflag:s2] =	dma.local @!p0 [hbm:s0], s1  }
0x69: {  	s0 =	simm.s32 @!p0 $0x2  }
0x6a: {  	_ =	swait.ge @!p0 [sflag:s0], s1  }
0x6b: {  	s1 =	ssub.s32 @!p0 $0x0, s1;
	[sflag:s0] =	ssyncset.done @!p0 $0x0  }
0x6c: {  	[sflag:s0] =	ssyncadd.s32 @!p0 s1  }
0x6d: {  	[bflag:$0x3] =	sbarrier.arrive $0xFFFF  }
0x6e: {  	_ =	shalt  }

// kernel: kernel.19.cloned.1.call-start
scs
__scs_entry_jumppad:
0x0: {  	(pc) =	sbr.rel $0x88, $3  }
0x1: {  	(tag) =	ssettag $0x0;
	lr =	simm.s32 $0x1  }
0x2: {  	[smem:$0x3F94] =	sst lr;
	_ =	strace $0xD0000000  }
0x3: {  	_ = 	snop  }
0x4: {  	_ = 	snop  }
0x5: {  	_ = 	snop  }
0x6: {  	_ = 	snop  }
0x7: {  	_ = 	snop  }
__scs_overlays_trampoline_lowered:
0x8: {  	[smem:$0x3FA3] =	sst s0  }
0x9: {  	[smem:$0x3FA4] =	sst s1  }
0xa: {  	[smem:$0x3FA5] =	sst s2  }
0xb: {  	[smem:$0x3FA6] =	sst s3  }
0xc: {  	[smem:$0x3FA7] =	sst s4  }
0xd: {  	[smem:$0x3FA8] =	sst s5  }
0xe: {  	[smem:$0x3FA9] =	sst s6  }
0xf: {  	[smem:$0x3FAA] =	sst s7  }
0x10: {  	[smem:$0x3FAB] =	sst s8  }
0x11: {  	[smem:$0x3FAC] =	sst s9;
	s0 =	simm.s32 @!p0 $0x0  }
0x12: {  	s1 =	sld [smem:$0x3F92];
	s0 =	simm.s32 @p0 $0x1  }
0x13: {  	[smem:$0x3FAD] =	sst s0;
	s0 =	simm.s32 @!p1 $0x0  }
0x14: {  	s2 =	sld [smem:$0x3F91];
	s0 =	simm.s32 @p1 $0x1  }
0x15: {  	[smem:$0x3FAE] =	sst s0;
	s0 =	simm.s32 @!p2 $0x0  }
0x16: {  	s3 =	sld [smem:$0x3FDB];
	s0 =	simm.s32 @p2 $0x1  }
0x17: {  	s4 =	simm.s32 $0x1BF5;
	[smem:$0x3FB0] =	sst s0  }
0x18: {  	s0 =	sld [smem:$0x3F93];
	_ =	swait.ge [sflag:s4], $0x0  }
0x19: {  	s7 =	sld [smem:$0x3F94]  }
0x1a: {  	s8 =	sadd.s32 $0xFFFFE003, lr  }
0x1b: {  	s9 =	sadd.s32 $0xFFFFFEF7, lr;
	s5 =	simm.s32 $0xFFFFFFFF;
	p2 =	slt.u32 s8, $0xFFFFF086  }
0x1c: {  	p1 =	slt.u32 s9, $0xF7A;
	s5 =	simm.s32 @!p2 $0x0  }
0x1d: {  	s5 =	simm.s32 @p1 $0x1;
	p0 =	seq.s32 s7, s2  }
0x1e: {  	s7 =	smul.u32 @!p0 $0xF7A, s2;
	p2 =	seq.s32 @!p0 s5, $0x0  }
0x1f: {  	s9 =	smul.u32 $0xF7A, s1;
	s8 =	simm.s32 @!p0 $0x1BF5;
	p2 =	por !p2, p0  }
0x20: {  	[sflag:s8] =	ssyncset.s32 @!p0 $0xFFFFF086;
	s6 =	sadd.s32 @!p0 s3, s7;
	s7 =	simm.s32 @!p0 $0x108  }
0x21: {  	s3 =	sadd.s32 s3, s9;
	s6 =	sadd.s32 @!p0 $0x88, s6;
	s7 =	simm.s32 @p2 $0x1082  }
0x22: {  	[simem:s7], [sflag:s8] =	dma.local @!p0 [hbm:s6], $0xF7A  }
0x23: {  	s9 =	sor.u32 $0xD0000000, s2;
	s6 =	simm.s32 $0x108;
	_ =	swait.ge @!p0 [sflag:s8], $0x0  }
0x24: {  	s3 =	sadd.s32 $0x88, s3;
	s6 =	simm.s32 @!p1 $0x1082;
	[sflag:s4] =	ssyncset.s32 $0xFFFFF086  }
0x25: {  	[simem:s6], [sflag:s4] =	dma.local [hbm:s3], $0xF7A  }
0x26: {  	[smem:$0x3F94] =	sst s1;
	(tag) =	ssettag s2;
	_ =	strace s9  }
0x27: {  	s1 =	sld [smem:$0x3FA4]  }
0x28: {  	s2 =	sld [smem:$0x3FA5]  }
0x29: {  	s4 =	sld [smem:$0x3FA7]  }
0x2a: {  	p0 =	seq.s32 s5, $0x0;
	s5 =	sld [smem:$0x3FA8]  }
0x2b: {  	s6 =	sld [smem:$0x3FA9]  }
0x2c: {  	s7 =	sld [smem:$0x3FAA]  }
0x2d: {  	s3 =	simm.s32 $0x108;
	s8 =	sld [smem:$0x3FAB]  }
0x2e: {  	s3 =	simm.s32 @!p0 $0x1082;
	s9 =	sld [smem:$0x3FAC]  }
0x2f: {  	lr =	sadd.s32 s0, s3;
	s0 =	sld [smem:$0x3FA3]  }
0x30: {  	s3 =	sld [smem:$0x3FA6]  }
0x31: {  	[smem:$0x3FAF] =	sst s10  }
0x32: {  	s10 =	sld [smem:$0x3FAD];
	_ =	sdelay $0x3  }
0x33: {  	p0 =	seq.s32 s10, $0x1;
	s10 =	sld [smem:$0x3FAF];
	_ =	sdelay $0x3  }
0x34: {  	[smem:$0x3FAF] =	sst s10  }
0x35: {  	s10 =	sld [smem:$0x3FAE];
	_ =	sdelay $0x3  }
0x36: {  	p1 =	seq.s32 s10, $0x1;
	s10 =	sld [smem:$0x3FAF];
	_ =	sdelay $0x3  }
0x37: {  	[smem:$0x3FAF] =	sst s10  }
0x38: {  	s10 =	sld [smem:$0x3FB0]  }
0x39: {  	_ = 	snop;
	(pc) =	sbr.ind lr, $3  }
0x3a: {  	_ = 	snop  }
0x3b: {  	_ = 	snop  }
0x3c: {  	p2 =	seq.s32 s10, $0x1;
	s10 =	sld [smem:$0x3FAF]  }
0x3d: {  	_ =	shalt  }
0x3e: {  	_ =	shalt  }
0x3f: {  	_ =	shalt  }
0x40: {  	_ =	shalt  }
0x41: {  	_ =	shalt  }
0x42: {  	_ =	shalt  }
0x43: {  	_ =	shalt  }
0x44: {  	_ =	shalt  }
0x45: {  	_ =	shalt  }
0x46: {  	_ =	shalt  }
0x47: {  	_ =	shalt  }
0x48: {  	_ =	shalt  }
0x49: {  	_ =	shalt  }
0x4a: {  	_ =	shalt  }
0x4b: {  	_ =	shalt  }
0x4c: {  	_ =	shalt  }
0x4d: {  	_ =	shalt  }
0x4e: {  	_ =	shalt  }
0x4f: {  	_ =	shalt  }
0x50: {  	_ =	shalt  }
0x51: {  	_ =	shalt  }
0x52: {  	_ =	shalt  }
0x53: {  	_ =	shalt  }
0x54: {  	_ =	shalt  }
0x55: {  	_ =	shalt  }
0x56: {  	_ =	shalt  }
0x57: {  	_ =	shalt  }
0x58: {  	_ =	shalt  }
0x59: {  	_ =	shalt  }
0x5a: {  	_ =	shalt  }
0x5b: {  	_ =	shalt  }
0x5c: {  	_ =	shalt  }
0x5d: {  	_ =	shalt  }
0x5e: {  	_ =	shalt  }
0x5f: {  	_ =	shalt  }
0x60: {  	_ =	shalt  }
0x61: {  	_ =	shalt  }
0x62: {  	_ =	shalt  }
0x63: {  	_ =	shalt  }
0x64: {  	_ =	shalt  }
0x65: {  	_ =	shalt  }
0x66: {  	_ =	shalt  }
0x67: {  	_ =	shalt  }
0x68: {  	_ =	shalt  }
0x69: {  	_ =	shalt  }
0x6a: {  	_ =	shalt  }
0x6b: {  	_ =	shalt  }
0x6c: {  	_ =	shalt  }
0x6d: {  	_ =	shalt  }
0x6e: {  	_ =	shalt  }
0x6f: {  	_ =	shalt  }
0x70: {  	_ =	shalt  }
0x71: {  	_ =	shalt  }
0x72: {  	_ =	shalt  }
0x73: {  	_ =	shalt  }
0x74: {  	_ =	shalt  }
0x75: {  	_ =	shalt  }
0x76: {  	_ =	shalt  }
0x77: {  	_ =	shalt  }
0x78: {  	_ =	shalt  }
0x79: {  	_ =	shalt  }
0x7a: {  	_ =	shalt  }
0x7b: {  	_ =	shalt  }
0x7c: {  	_ =	shalt  }
0x7d: {  	_ =	shalt  }
0x7e: {  	_ =	shalt  }
0x7f: {  	_ =	shalt  }
0x80: {  	_ =	shalt  }
0x81: {  	_ =	shalt  }
0x82: {  	_ =	shalt  }
0x83: {  	_ =	shalt  }
0x84: {  	_ =	shalt  }
0x85: {  	_ =	shalt  }
0x86: {  	_ =	shalt  }
0x87: {  	_ =	shalt  }
.Lfunc_end0:
.L_simem_size_0:
called_computation.2_lowered:
.L_overlay_start_0:
0x88: {  	s2 =	sld [smem:$0x3FD9]  }
0x89: {  	s3 =	sld [smem:$0x3FFE];
	_ =	sdelay $0x1  }
0x8a: {  	s1 =	srdreg.scid  }
0x8b: {  	s0 =	sand.u32 $0x1, s1  }
0x8c: {  	s14 =	sshll.u32 s0, $0xA;
	s2 =	sadd.s32 s3, s2  }
0x8d: {  	s2 =	sadd.s32 s2, s14  }
0x8e: {  	[smem:$0x3FBB] =	sst s2  }
0x8f: {  	_ = 	snop  }
0x90: {  	s2 =	sld [smem:$0x3FD0];
	_ =	sdelay $0x2  }
0x91: {  	s15 =	simm.s32 $0xA;
	s4 =	simm.s32 $0x10  }
0x92: {  	[smem:s4], [sflag:s15] =	dma.local [hbm:s2], $0x1  }
0x93: {  	_ =	swait.eq [sflag:s15], $0x1  }
0x94: {  	[sflag:s15] =	ssyncset.done $0x0  }
0x95: {  	[sflag:s15] =	ssyncadd.s32 $0xFFFFFFFF  }
0x96: {  	s16 =	sld [smem:$0x13];
	(tm) =	ssettm $0x1  }
0x97: {  	s17 =	sld [smem:$0x3FFB];
	_ =	sdelay $0x3  }
0x98: {  	_ =	strace s17  }
0x99: {  	s3 =	sld [smem:$0x3FFC];
	_ =	sdelay $0x3  }
0x9a: {  	_ =	strace s3  }
0x9b: {  	s3 =	sld [smem:$0x3FFD];
	_ =	sdelay $0x3  }
0x9c: {  	_ =	strace s3  }
0x9d: {  	_ =	strace $0x8FFFFFFF  }
0x9e: {  	s18 =	sld [smem:$0x3FDB];
	_ =	sdelay $0x1  }
0x9f: {  	s19 =	simm.s32 $_scs_section_size  }
0xa0: {  	s5 =	simm.s32 $_size__tile_overlayer_lowered;
	s6 =	simm.s32 $_tile_overlayer_lowered  }
0xa1: {  	s22 =	simm.s32 $0x1BFF;
	s21 =	sshll.u32 s6, $0x1;
	s3 =	sadd.s32 s19, s18  }
0xa2: {  	s7 =	simm.s32 $0x0;
	s20 =	sshll.u32 s5, $0x1;
	s5 =	sadd.s32 s21, s3  }
0xa3: {  	[timem:s7], [sflag:s22] =	dma.local [hbm:s5], s20  }
0xa4: {  	_ =	swait.ge [sflag:s22], s20  }
0xa5: {  	s4 =	ssub.s32 $0x0, s20;
	[sflag:s22] =	ssyncset.done $0x0  }
0xa6: {  	[sflag:s22] =	ssyncadd.s32 s4;
	_ =	sdelay $0x1  }
0xa7: {  	s23 =	simm.s32 $0x1B8B  }
0xa8: {  	_ =	swait.ge [sflag:s23], $0x1  }
0xa9: {  	[sflag:s23] =	ssyncset.done $0x0  }
0xaa: {  	s25 =	simm.s32 $0x1B8E;
	s24 =	sld [smem:$0x3FFE];
	[sflag:s23] =	ssyncadd.s32 $0xFFFFFFFF  }
0xab: {  	s26 =	simm.s32 $execute0_lowered;
	[smem:$0x3FD2] =	sst s25  }
0xac: {  	s5 =	sshll.u32 s26, $0x1;
	_ =	strace $0x8000004C;
	[dreg:$0x1] =	wrdreg $0xFFFFFFFF  }
0xad: {  	s28 =	simm.s32 $_size_execute0_lowered;
	s3 =	sadd.s32 s3, s5;
	[dreg:$0x0] =	wrdreg $0x0  }
0xae: {  	s5 =	sshll.u32 s28, $0x1;
	[dreg:$0x2] =	wrdreg s3  }
0xaf: {  	[dreg:$0x3] =	wrdreg s5  }
0xb0: {  	[dreg:$0x4] =	wrdreg $0xC0  }
0xb1: {  	_ =	task [dreg:s7], $0x5FFFF  }
0xb2: {  	[dreg:$0x1] =	wrdreg $0xFFFFFFFF  }
0xb3: {  	[dreg:$0x0] =	wrdreg $0x60  }
0xb4: {  	[dreg:$0x2] =	wrdreg s24  }
0xb5: {  	[dreg:$0x3] =	wrdreg s16  }
0xb6: {  	[dreg:$0x4] =	wrdreg $0x41000  }
0xb7: {  	[dreg:$0x5] =	wrdreg $0x9  }
0xb8: {  	_ =	task.clear_ibuf [dreg:s7], $0x6FFFF;
	_ =	strace $0x9000004C  }
0xb9: {  	s29 =	simm.s32 $0x9;
	_ =	strace $0x8000004E  }
0xba: {  	_ =	swait.ge [sflag:s29], $0x1  }
0xbb: {  	[sflag:s29] =	ssyncadd.s32 $0xFFFFFFFF  }
0xbc: {  	_ =	strace $0x9000004E  }
0xbd: {  	_ =	sfence  }
0xbe: {  	s30 =	sld [smem:$0x0];
	_ =	sdelay $0x2  }
0xbf: {  	s31 =	sshll.u32 s1, $0xD;
	s1 =	sshrl.u32 s1, $0x2  }
0xc0: {  	s3 =	sand.u32 $0x4000, s31;
	s1 =	sadd.s32 s1, s30  }
0xc1: {  	s0 =	sor.u32 s3, s0;
	s1 =	sshll.u32 s1, $0x11  }
0xc2: {  	s0 =	sor.u32 s1, s0  }
0xc3: {  	s0 =	sadd.s32 $0x8F2B, s0  }
0xc4: {  	[sflag:s0] =	ssyncadd.remote.s32 $0x1  }
0xc5: {  	_ =	sfence.sel $0xFFFF  }
0xc6: {  	[dreg:$0x0] =	wrdreg $0xFFFFFFFF;
	(pc) =	sbr.abs _section_cstart, $3  }
0xc7: {  	[dreg:$0x1] =	wrdreg $0xFFFFFFFF  }
0xc8: {  	_ =	task.clear_ibuf [dreg:s7], $0x2FFFF;
	_ =	strace $0x9FFFFFFF  }
0xc9: {  	(tm) =	ssettm $0x7FFFFFFF  }
tec
execute0_lowered:
.L_overlay_start_1:
0x0: {  	(tag) =	ssettag $0x1  }
0x1: {  	s5 =	rddreg [dreg:$0x0]  }
0x2: {  	s12 =	rddreg [dreg:$0x1];
	s0 =	srdreg.scid  }
0x3: {  	s2 =	rddreg [dreg:$0x2];
	s1 =	stileid.u32;
	s3 =	simm.s32 $0x0  }
0x4: {  	s15 =	simm.s32 $0x80;
	s16 =	simm.s32 $0x1;
	s7 =	smul.u32 $0x2800, s1  }
0x5: {  	s10 =	sand.u32 $0x1, s0;
	s0 =	rddreg [dreg:$0x3];
	s8 =	smul.u32 $0x50000, s1  }
0x6: {  	s19 =	simm.s32 $0x0;
	[smem:$0x7FF] =	sst s3;
	s13 =	smul.u32 $0x13C0, s1  }
0x7: {  	s4 =	sadd.s32 $0x3400, s5;
	s17 =	sshll.u32 s1, $0x6;
	s6 =	smul.u32 $0x28000, s10  }
0x8: {  	_ =	strace $0x8000004D;
	s9 =	ssub.s32 $0x2, s10;
	s14 =	smul.u32 $0x9E0, s10  }
0x9: {  	s17 =	sor.u32 $0x1C02, s17;
	s31 =	sshrl.u32 s9, $0x1;
	s8 =	sshrl.u32 s8, $0x2  }
0xa: {  	s12 =	sadd.s32 s13, s12;
	s13 =	simm.s32 $0x100;
	s6 =	sadd.s32 s7, s6  }
0xb: {  	s7 =	ssub.s32 s9, s31;
	s12 =	sadd.s32 s14, s12;
	s14 =	simm.s32 $0x2  }
0xc: {  	s6 =	sadd.s32 s6, s5;
	s5 =	sadd.s32 s8, s2;
	s7 =	smax.u32 s7, $0x1  }
0xd: {  	s6 =	sadd.s32 $0x53400, s6;
	s8 =	sadd.s32 $0x4000, s5;
	s9 =	sadd.s32 $0x8000, s5  }
0xe: {  	v0 =	vimm.f32 $0.0e+00;
	s10 =	sadd.s32 $0xC000, s5;
	s11 =	sadd.s32 $0x10000, s5;
	s18 =	sshrl.u32 s5, $0x3  }
.LBB2_1:
0xf: {  	s20 =	simm.s32 $0x0;
	s21 =	simm.s32 $0x200  }
.LBB2_2:
0x10: {  	p0 =	sne.s32 s21, $0xFE00;
	[tilespmem:s20+$0x170] =	vst v0  }
0x11: {  	[tilespmem:s20+$0x100] =	vst v0  }
0x12: {  	[tilespmem:s20+$0x110] =	vst v0  }
.Ltmp0:
0x13: {  	[tilespmem:s20+$0x120] =	vst v0;
	(pc) =	sbr.rel @p0 .LBB2_2-.Ltmp0, $4  }
0x14: {  	[tilespmem:s20+$0x130] =	vst v0  }
0x15: {  	[tilespmem:s20+$0x140] =	vst v0  }
0x16: {  	[tilespmem:s20+$0x150] =	vst v0  }
0x17: {  	[tilespmem:s20+$0x160] =	vst v0;
	s20 =	sshra.s32 s21, $0x2;
	s21 =	sadd.s32 $0x200, s21  }
0x18: {  	[tilespmem:s20+$0x170] =	vst v0  }
0x19: {  	[tilespmem:s20+$0x100] =	vst v0  }
0x1a: {  	[tilespmem:s20+$0x110] =	vst v0  }
0x1b: {  	[tilespmem:s20+$0x120] =	vst v0  }
0x1c: {  	[tilespmem:s20+$0x130] =	vst v0  }
0x1d: {  	[tilespmem:s20+$0x140] =	vst v0  }
0x1e: {  	[tilespmem:s20+$0x150] =	vst v0  }
0x1f: {  	[tilespmem:s20+$0x160] =	vst v0  }
0x20: {  	[spmem:s5] =	stream.linear.scatter [tilespmem:s13], [sflag:$0x2], $0x4000, $0x38;
	[tilespmem:$0x18100] =	vst v63  }
0x21: {  	_ =	swait.ge [sflag:s14], $0x4000  }
0x22: {  	[sflag:s14] =	ssyncset.done $0x0  }
0x23: {  	[sflag:s14] =	ssyncadd.s32 $0xFFFFC000  }
0x24: {  	[spmem:s8] =	stream.linear.scatter [tilespmem:s13], [sflag:$0x2], $0x4000, $0x38;
	[tilespmem:$0x18100] =	vst v63  }
0x25: {  	_ =	swait.ge [sflag:s14], $0x4000  }
0x26: {  	[sflag:s14] =	ssyncset.done $0x0  }
0x27: {  	[sflag:s14] =	ssyncadd.s32 $0xFFFFC000  }
0x28: {  	[spmem:s9] =	stream.linear.scatter [tilespmem:s13], [sflag:$0x2], $0x4000, $0x38;
	[tilespmem:$0x18100] =	vst v63  }
0x29: {  	_ =	swait.ge [sflag:s14], $0x4000  }
0x2a: {  	[sflag:s14] =	ssyncset.done $0x0  }
0x2b: {  	[sflag:s14] =	ssyncadd.s32 $0xFFFFC000  }
0x2c: {  	[spmem:s10] =	stream.linear.scatter [tilespmem:s13], [sflag:$0x2], $0x4000, $0x38;
	[tilespmem:$0x18100] =	vst v63  }
0x2d: {  	_ =	swait.ge [sflag:s14], $0x4000  }
0x2e: {  	[sflag:s14] =	ssyncset.done $0x0  }
0x2f: {  	[sflag:s14] =	ssyncadd.s32 $0xFFFFC000  }
0x30: {  	[spmem:s11] =	stream.linear.scatter [tilespmem:s13], [sflag:$0x2], $0x4000, $0x38;
	[tilespmem:$0x18100] =	vst v63  }
0x31: {  	_ =	swait.ge [sflag:s14], $0x4000  }
0x32: {  	[sflag:s14] =	ssyncset.done $0x0  }
0x33: {  	[sflag:s14] =	ssyncadd.s32 $0xFFFFC000  }
0x34: {  	s31 =	sadd.s32 $0x0, s12;
	[bflag:$0x0] =	sbarrier.arrive $0xFFFF  }
0x35: {  	[tilespmem:s3], [sflag:$0x2] =	stream.linear.gather [hbm4b:s31+s3], $0x100, $0x38;
	[tilespmem:$0x18100] =	vst v63  }
0x36: {  	_ =	swait.ge [sflag:s14], $0x100  }
0x37: {  	[sflag:s14] =	ssyncset.done $0x0  }
0x38: {  	[sflag:s14] =	ssyncadd.s32 $0xFFFFFF00  }
0x39: {  	[tilespmem:s13], [sflag:$0x1] =	stream.indirect.gather [hbm4b:s4+s15], $0x80, s3, s15, $0xb8;
	[tilespmem:$0x18100] =	vst v63  }
0x3a: {  	_ =	swait.ge [sflag:s16], $0x4000  }
0x3b: {  	[sflag:s16] =	ssyncset.done $0x0  }
0x3c: {  	[sflag:s16] =	ssyncadd.s32 $0xFFFFC000  }
0x3d: {  	[spmem:s2] =	stream.indirect.scatter.add.f32 [tilespmem:s13], [sflag:$0x2], $0x80, s15, s15, $0xb8;
	[tilespmem:$0x18100] =	vst v63  }
0x3e: {  	_ =	swait.ge [sflag:s14], $0x4000  }
0x3f: {  	s20 =	simm.s32 $0x20;
	s21 =	simm.s32 $0x40;
	[sflag:s14] =	ssyncset.done $0x0  }
.LBB2_4:
0x40: {  	s22 =	sadd.s32 s20, s12  }
0x41: {  	[sflag:s14] =	ssyncadd.s32 $0xFFFFC000;
	s20 =	smov.u32 s21;
	s23 =	sadd.s32 $0x20, s21  }
0x42: {  	[tilespmem:s3], [sflag:$0x2] =	stream.linear.gather [hbm4b:s22+s3], $0x100, $0x38;
	[tilespmem:$0x18100] =	vst v63  }
0x43: {  	p0 =	sne.s32 s21, $0x9C0;
	_ =	swait.ge [sflag:s14], $0x100  }
0x44: {  	[sflag:s14] =	ssyncset.done $0x0  }
0x45: {  	[sflag:s14] =	ssyncadd.s32 $0xFFFFFF00  }
0x46: {  	[tilespmem:s13], [sflag:$0x1] =	stream.indirect.gather [hbm4b:s4+s15], $0x80, s3, s15, $0xb8;
	[tilespmem:$0x18100] =	vst v63  }
0x47: {  	_ =	swait.ge [sflag:s16], $0x4000  }
.Ltmp1:
0x48: {  	[sflag:s16] =	ssyncset.done $0x0;
	(pc) =	sbr.rel @p0 .LBB2_4-.Ltmp1, $4  }
0x49: {  	[sflag:s16] =	ssyncadd.s32 $0xFFFFC000  }
0x4a: {  	[spmem:s2] =	stream.indirect.scatter.add.f32 [tilespmem:s13], [sflag:$0x2], $0x80, s15, s15, $0xb8;
	[tilespmem:$0x18100] =	vst v63  }
0x4b: {  	_ =	swait.ge [sflag:s14], $0x4000  }
0x4c: {  	s21 =	smov.u32 s23;
	[sflag:s14] =	ssyncset.done $0x0  }
0x4d: {  	s20 =	sadd.s32 s20, s12;
	[sflag:s14] =	ssyncadd.s32 $0xFFFFC000  }
0x4e: {  	[tilespmem:s3], [sflag:$0x2] =	stream.linear.gather [hbm4b:s20+s3], $0x100, $0x38;
	[tilespmem:$0x18100] =	vst v63  }
0x4f: {  	_ =	swait.ge [sflag:s14], $0x100  }
0x50: {  	[sflag:s14] =	ssyncset.done $0x0  }
0x51: {  	[sflag:s14] =	ssyncadd.s32 $0xFFFFFF00  }
0x52: {  	[tilespmem:s13], [sflag:$0x1] =	stream.indirect.gather [hbm4b:s4+s15], $0x80, s3, s15, $0xb8;
	[tilespmem:$0x18100] =	vst v63  }
0x53: {  	_ =	swait.ge [sflag:s16], $0x4000  }
0x54: {  	[sflag:s16] =	ssyncset.done $0x0  }
0x55: {  	[sflag:s16] =	ssyncadd.s32 $0xFFFFC000  }
0x56: {  	[spmem:s2] =	stream.indirect.scatter.add.f32 [tilespmem:s13], [sflag:$0x2], $0x80, s15, s15, $0xb8;
	[tilespmem:$0x18100] =	vst v63  }
0x57: {  	_ =	swait.ge [sflag:s14], $0x4000  }
0x58: {  	s19 =	sadd.s32 $0x1, s19;
	[sflag:s14] =	ssyncset.done $0x0  }
0x59: {  	p0 =	sne.s32 s19, s7;
	[sflag:s14] =	ssyncadd.s32 $0xFFFFC000  }
.Ltmp2:
0x5a: {  	[bflag:$0x0] =	sbarrier.arrive $0xFFFF;
	(pc) =	sbr.rel @p0 .LBB2_1-.Ltmp2, $4  }
0x5b: {  	[hbm:s6], [sflag:s17] =	dma.local [spmem:s18], $0x2800  }
0x5c: {  	_ =	swait.ge [sflag:s14], $0x2800  }
0x5d: {  	[sflag:s14] =	ssyncset.done $0x0  }
0x5e: {  	[sflag:s14] =	ssyncadd.s32 $0xFFFFD800  }
0x5f: {  	_ =	sfence.sel $0x180000  }
0x60: {  	[bflag:$0x0] =	sbarrier.arrive $0xFFFF  }
0x61: {  	p0 =	sne.s32 s1, $0x0;
	_ =	strace $0x9000004D  }
0x62: {  	s0 =	sadd.s32 @!p0 $0x100000, s0;
	[bflag:$0x2] =	sbarrier.arrive $0xFFFF  }
0x63: {  	[sflag:s0] =	ssyncadd.tile.s32 @!p0 $0x1;
	_ =	shalt  }
.Lfunc_end2:
_tile_overlayer_lowered:
.L_overlay_start_2:
0x64: {  	(tag) =	ssettag $0x2  }
0x65: {  	s0 =	rddreg [dreg:$0x0];
	s2 =	stileid.u32  }
0x66: {  	s1 =	rddreg [dreg:$0x1];
	p0 =	sne.s32 s2, $0x0  }
0x67: {  	s3 =	rddreg [dreg:$0x2];
	[bflag:$0x3] =	sbarrier.arrive $0xFFFF;
	s2 =	simm.s32 @!p0 $0x1C02  }
0x68: {  	[timem:s3], [sflag:s2] =	dma.local @!p0 [hbm:s0], s1  }
0x69: {  	s0 =	simm.s32 @!p0 $0x2  }
0x6a: {  	_ =	swait.ge @!p0 [sflag:s0], s1  }
0x6b: {  	s1 =	ssub.s32 @!p0 $0x0, s1;
	[sflag:s0] =	ssyncset.done @!p0 $0x0  }
0x6c: {  	[sflag:s0] =	ssyncadd.s32 @!p0 s1  }
0x6d: {  	[bflag:$0x3] =	sbarrier.arrive $0xFFFF  }
0x6e: {  	_ =	shalt  }

// kernel: kernel.22.cloned.1.call-start
scs
__scs_entry_jumppad:
0x0: {  	(pc) =	sbr.rel $0x88, $3  }
0x1: {  	(tag) =	ssettag $0x0;
	lr =	simm.s32 $0x1  }
0x2: {  	[smem:$0x3F94] =	sst lr;
	_ =	strace $0xD0000000  }
0x3: {  	_ = 	snop  }
0x4: {  	_ = 	snop  }
0x5: {  	_ = 	snop  }
0x6: {  	_ = 	snop  }
0x7: {  	_ = 	snop  }
__scs_overlays_trampoline_lowered:
0x8: {  	[smem:$0x3FA3] =	sst s0  }
0x9: {  	[smem:$0x3FA4] =	sst s1  }
0xa: {  	[smem:$0x3FA5] =	sst s2  }
0xb: {  	[smem:$0x3FA6] =	sst s3  }
0xc: {  	[smem:$0x3FA7] =	sst s4  }
0xd: {  	[smem:$0x3FA8] =	sst s5  }
0xe: {  	[smem:$0x3FA9] =	sst s6  }
0xf: {  	[smem:$0x3FAA] =	sst s7  }
0x10: {  	[smem:$0x3FAB] =	sst s8  }
0x11: {  	[smem:$0x3FAC] =	sst s9;
	s0 =	simm.s32 @!p0 $0x0  }
0x12: {  	s1 =	sld [smem:$0x3F92];
	s0 =	simm.s32 @p0 $0x1  }
0x13: {  	[smem:$0x3FAD] =	sst s0;
	s0 =	simm.s32 @!p1 $0x0  }
0x14: {  	s2 =	sld [smem:$0x3F91];
	s0 =	simm.s32 @p1 $0x1  }
0x15: {  	[smem:$0x3FAE] =	sst s0;
	s0 =	simm.s32 @!p2 $0x0  }
0x16: {  	s3 =	sld [smem:$0x3FDB];
	s0 =	simm.s32 @p2 $0x1  }
0x17: {  	s4 =	simm.s32 $0x1BF5;
	[smem:$0x3FB0] =	sst s0  }
0x18: {  	s0 =	sld [smem:$0x3F93];
	_ =	swait.ge [sflag:s4], $0x0  }
0x19: {  	s7 =	sld [smem:$0x3F94]  }
0x1a: {  	s8 =	sadd.s32 $0xFFFFE003, lr  }
0x1b: {  	s9 =	sadd.s32 $0xFFFFFEF7, lr;
	s5 =	simm.s32 $0xFFFFFFFF;
	p2 =	slt.u32 s8, $0xFFFFF086  }
0x1c: {  	p1 =	slt.u32 s9, $0xF7A;
	s5 =	simm.s32 @!p2 $0x0  }
0x1d: {  	s5 =	simm.s32 @p1 $0x1;
	p0 =	seq.s32 s7, s2  }
0x1e: {  	s7 =	smul.u32 @!p0 $0xF7A, s2;
	p2 =	seq.s32 @!p0 s5, $0x0  }
0x1f: {  	s9 =	smul.u32 $0xF7A, s1;
	s8 =	simm.s32 @!p0 $0x1BF5;
	p2 =	por !p2, p0  }
0x20: {  	[sflag:s8] =	ssyncset.s32 @!p0 $0xFFFFF086;
	s6 =	sadd.s32 @!p0 s3, s7;
	s7 =	simm.s32 @!p0 $0x108  }
0x21: {  	s3 =	sadd.s32 s3, s9;
	s6 =	sadd.s32 @!p0 $0x88, s6;
	s7 =	simm.s32 @p2 $0x1082  }
0x22: {  	[simem:s7], [sflag:s8] =	dma.local @!p0 [hbm:s6], $0xF7A  }
0x23: {  	s9 =	sor.u32 $0xD0000000, s2;
	s6 =	simm.s32 $0x108;
	_ =	swait.ge @!p0 [sflag:s8], $0x0  }
0x24: {  	s3 =	sadd.s32 $0x88, s3;
	s6 =	simm.s32 @!p1 $0x1082;
	[sflag:s4] =	ssyncset.s32 $0xFFFFF086  }
0x25: {  	[simem:s6], [sflag:s4] =	dma.local [hbm:s3], $0xF7A  }
0x26: {  	[smem:$0x3F94] =	sst s1;
	(tag) =	ssettag s2;
	_ =	strace s9  }
0x27: {  	s1 =	sld [smem:$0x3FA4]  }
0x28: {  	s2 =	sld [smem:$0x3FA5]  }
0x29: {  	s4 =	sld [smem:$0x3FA7]  }
0x2a: {  	p0 =	seq.s32 s5, $0x0;
	s5 =	sld [smem:$0x3FA8]  }
0x2b: {  	s6 =	sld [smem:$0x3FA9]  }
0x2c: {  	s7 =	sld [smem:$0x3FAA]  }
0x2d: {  	s3 =	simm.s32 $0x108;
	s8 =	sld [smem:$0x3FAB]  }
0x2e: {  	s3 =	simm.s32 @!p0 $0x1082;
	s9 =	sld [smem:$0x3FAC]  }
0x2f: {  	lr =	sadd.s32 s0, s3;
	s0 =	sld [smem:$0x3FA3]  }
0x30: {  	s3 =	sld [smem:$0x3FA6]  }
0x31: {  	[smem:$0x3FAF] =	sst s10  }
0x32: {  	s10 =	sld [smem:$0x3FAD];
	_ =	sdelay $0x3  }
0x33: {  	p0 =	seq.s32 s10, $0x1;
	s10 =	sld [smem:$0x3FAF];
	_ =	sdelay $0x3  }
0x34: {  	[smem:$0x3FAF] =	sst s10  }
0x35: {  	s10 =	sld [smem:$0x3FAE];
	_ =	sdelay $0x3  }
0x36: {  	p1 =	seq.s32 s10, $0x1;
	s10 =	sld [smem:$0x3FAF];
	_ =	sdelay $0x3  }
0x37: {  	[smem:$0x3FAF] =	sst s10  }
0x38: {  	s10 =	sld [smem:$0x3FB0]  }
0x39: {  	_ = 	snop;
	(pc) =	sbr.ind lr, $3  }
0x3a: {  	_ = 	snop  }
0x3b: {  	_ = 	snop  }
0x3c: {  	p2 =	seq.s32 s10, $0x1;
	s10 =	sld [smem:$0x3FAF]  }
0x3d: {  	_ =	shalt  }
0x3e: {  	_ =	shalt  }
0x3f: {  	_ =	shalt  }
0x40: {  	_ =	shalt  }
0x41: {  	_ =	shalt  }
0x42: {  	_ =	shalt  }
0x43: {  	_ =	shalt  }
0x44: {  	_ =	shalt  }
0x45: {  	_ =	shalt  }
0x46: {  	_ =	shalt  }
0x47: {  	_ =	shalt  }
0x48: {  	_ =	shalt  }
0x49: {  	_ =	shalt  }
0x4a: {  	_ =	shalt  }
0x4b: {  	_ =	shalt  }
0x4c: {  	_ =	shalt  }
0x4d: {  	_ =	shalt  }
0x4e: {  	_ =	shalt  }
0x4f: {  	_ =	shalt  }
0x50: {  	_ =	shalt  }
0x51: {  	_ =	shalt  }
0x52: {  	_ =	shalt  }
0x53: {  	_ =	shalt  }
0x54: {  	_ =	shalt  }
0x55: {  	_ =	shalt  }
0x56: {  	_ =	shalt  }
0x57: {  	_ =	shalt  }
0x58: {  	_ =	shalt  }
0x59: {  	_ =	shalt  }
0x5a: {  	_ =	shalt  }
0x5b: {  	_ =	shalt  }
0x5c: {  	_ =	shalt  }
0x5d: {  	_ =	shalt  }
0x5e: {  	_ =	shalt  }
0x5f: {  	_ =	shalt  }
0x60: {  	_ =	shalt  }
0x61: {  	_ =	shalt  }
0x62: {  	_ =	shalt  }
0x63: {  	_ =	shalt  }
0x64: {  	_ =	shalt  }
0x65: {  	_ =	shalt  }
0x66: {  	_ =	shalt  }
0x67: {  	_ =	shalt  }
0x68: {  	_ =	shalt  }
0x69: {  	_ =	shalt  }
0x6a: {  	_ =	shalt  }
0x6b: {  	_ =	shalt  }
0x6c: {  	_ =	shalt  }
0x6d: {  	_ =	shalt  }
0x6e: {  	_ =	shalt  }
0x6f: {  	_ =	shalt  }
0x70: {  	_ =	shalt  }
0x71: {  	_ =	shalt  }
0x72: {  	_ =	shalt  }
0x73: {  	_ =	shalt  }
0x74: {  	_ =	shalt  }
0x75: {  	_ =	shalt  }
0x76: {  	_ =	shalt  }
0x77: {  	_ =	shalt  }
0x78: {  	_ =	shalt  }
0x79: {  	_ =	shalt  }
0x7a: {  	_ =	shalt  }
0x7b: {  	_ =	shalt  }
0x7c: {  	_ =	shalt  }
0x7d: {  	_ =	shalt  }
0x7e: {  	_ =	shalt  }
0x7f: {  	_ =	shalt  }
0x80: {  	_ =	shalt  }
0x81: {  	_ =	shalt  }
0x82: {  	_ =	shalt  }
0x83: {  	_ =	shalt  }
0x84: {  	_ =	shalt  }
0x85: {  	_ =	shalt  }
0x86: {  	_ =	shalt  }
0x87: {  	_ =	shalt  }
.Lfunc_end0:
.L_simem_size_0:
called_computation.3_lowered:
.L_overlay_start_0:
0x88: {  	s2 =	sld [smem:$0x3FD9]  }
0x89: {  	s3 =	sld [smem:$0x3FFE];
	_ =	sdelay $0x1  }
0x8a: {  	s1 =	srdreg.scid  }
0x8b: {  	s0 =	sand.u32 $0x1, s1  }
0x8c: {  	s14 =	sshll.u32 s0, $0xA;
	s2 =	sadd.s32 s3, s2  }
0x8d: {  	s2 =	sadd.s32 s2, s14  }
0x8e: {  	[smem:$0x3FBB] =	sst s2  }
0x8f: {  	_ = 	snop  }
0x90: {  	s2 =	sld [smem:$0x3FD0];
	_ =	sdelay $0x2  }
0x91: {  	s15 =	simm.s32 $0xA;
	s4 =	simm.s32 $0x10  }
0x92: {  	[smem:s4], [sflag:s15] =	dma.local [hbm:s2], $0x1  }
0x93: {  	_ =	swait.eq [sflag:s15], $0x1  }
0x94: {  	[sflag:s15] =	ssyncset.done $0x0  }
0x95: {  	[sflag:s15] =	ssyncadd.s32 $0xFFFFFFFF  }
0x96: {  	s16 =	sld [smem:$0x13];
	(tm) =	ssettm $0x1  }
0x97: {  	s17 =	sld [smem:$0x3FFB];
	_ =	sdelay $0x3  }
0x98: {  	_ =	strace s17  }
0x99: {  	s3 =	sld [smem:$0x3FFC];
	_ =	sdelay $0x3  }
0x9a: {  	_ =	strace s3  }
0x9b: {  	s3 =	sld [smem:$0x3FFD];
	_ =	sdelay $0x3  }
0x9c: {  	_ =	strace s3  }
0x9d: {  	_ =	strace $0x8FFFFFFF  }
0x9e: {  	s18 =	sld [smem:$0x3FDB];
	_ =	sdelay $0x1  }
0x9f: {  	s19 =	simm.s32 $_scs_section_size  }
0xa0: {  	s5 =	simm.s32 $_size__tile_overlayer_lowered;
	s6 =	simm.s32 $_tile_overlayer_lowered  }
0xa1: {  	s22 =	simm.s32 $0x1BFF;
	s21 =	sshll.u32 s6, $0x1;
	s3 =	sadd.s32 s19, s18  }
0xa2: {  	s7 =	simm.s32 $0x0;
	s20 =	sshll.u32 s5, $0x1;
	s5 =	sadd.s32 s21, s3  }
0xa3: {  	[timem:s7], [sflag:s22] =	dma.local [hbm:s5], s20  }
0xa4: {  	_ =	swait.ge [sflag:s22], s20  }
0xa5: {  	s4 =	ssub.s32 $0x0, s20;
	[sflag:s22] =	ssyncset.done $0x0  }
0xa6: {  	[sflag:s22] =	ssyncadd.s32 s4;
	_ =	sdelay $0x1  }
0xa7: {  	s23 =	simm.s32 $0x1B8B  }
0xa8: {  	_ =	swait.ge [sflag:s23], $0x1  }
0xa9: {  	[sflag:s23] =	ssyncset.done $0x0  }
0xaa: {  	s25 =	simm.s32 $0x1B8E;
	s24 =	sld [smem:$0x3FFE];
	[sflag:s23] =	ssyncadd.s32 $0xFFFFFFFF  }
0xab: {  	s26 =	simm.s32 $execute0_lowered;
	[smem:$0x3FD2] =	sst s25  }
0xac: {  	s5 =	sshll.u32 s26, $0x1;
	_ =	strace $0x8000004F;
	[dreg:$0x1] =	wrdreg $0xFFFFFFFF  }
0xad: {  	s28 =	simm.s32 $_size_execute0_lowered;
	s3 =	sadd.s32 s3, s5;
	[dreg:$0x0] =	wrdreg $0x0  }
0xae: {  	s5 =	sshll.u32 s28, $0x1;
	[dreg:$0x2] =	wrdreg s3  }
0xaf: {  	[dreg:$0x3] =	wrdreg s5  }
0xb0: {  	[dreg:$0x4] =	wrdreg $0xC0  }
0xb1: {  	_ =	task [dreg:s7], $0x5FFFF  }
0xb2: {  	[dreg:$0x1] =	wrdreg $0xFFFFFFFF  }
0xb3: {  	[dreg:$0x0] =	wrdreg $0x60  }
0xb4: {  	[dreg:$0x2] =	wrdreg s24  }
0xb5: {  	[dreg:$0x3] =	wrdreg s16  }
0xb6: {  	[dreg:$0x4] =	wrdreg $0x41000  }
0xb7: {  	[dreg:$0x5] =	wrdreg $0x9  }
0xb8: {  	_ =	task.clear_ibuf [dreg:s7], $0x6FFFF;
	_ =	strace $0x9000004F  }
0xb9: {  	s29 =	simm.s32 $0x9;
	_ =	strace $0x80000051  }
0xba: {  	_ =	swait.ge [sflag:s29], $0x1  }
0xbb: {  	[sflag:s29] =	ssyncadd.s32 $0xFFFFFFFF  }
0xbc: {  	_ =	strace $0x90000051  }
0xbd: {  	_ =	sfence  }
0xbe: {  	s30 =	sld [smem:$0x0];
	_ =	sdelay $0x2  }
0xbf: {  	s31 =	sshll.u32 s1, $0xD;
	s1 =	sshrl.u32 s1, $0x2  }
0xc0: {  	s3 =	sand.u32 $0x4000, s31;
	s1 =	sadd.s32 s1, s30  }
0xc1: {  	s0 =	sor.u32 s3, s0;
	s1 =	sshll.u32 s1, $0x11  }
0xc2: {  	s0 =	sor.u32 s1, s0  }
0xc3: {  	s0 =	sadd.s32 $0x8F2B, s0  }
0xc4: {  	[sflag:s0] =	ssyncadd.remote.s32 $0x1  }
0xc5: {  	_ =	sfence.sel $0xFFFF  }
0xc6: {  	[dreg:$0x0] =	wrdreg $0xFFFFFFFF;
	(pc) =	sbr.abs _section_cstart, $3  }
0xc7: {  	[dreg:$0x1] =	wrdreg $0xFFFFFFFF  }
0xc8: {  	_ =	task.clear_ibuf [dreg:s7], $0x2FFFF;
	_ =	strace $0x9FFFFFFF  }
0xc9: {  	(tm) =	ssettm $0x7FFFFFFF  }
tec
execute0_lowered:
.L_overlay_start_1:
0x0: {  	(tag) =	ssettag $0x1  }
0x1: {  	s5 =	rddreg [dreg:$0x0]  }
0x2: {  	s12 =	rddreg [dreg:$0x1];
	s0 =	srdreg.scid  }
0x3: {  	s2 =	rddreg [dreg:$0x2];
	s1 =	stileid.u32;
	s3 =	simm.s32 $0x0  }
0x4: {  	s15 =	simm.s32 $0x80;
	s16 =	simm.s32 $0x1;
	s7 =	smul.u32 $0x2800, s1  }
0x5: {  	s10 =	sand.u32 $0x1, s0;
	s0 =	rddreg [dreg:$0x3];
	s8 =	smul.u32 $0x50000, s1  }
0x6: {  	s19 =	simm.s32 $0x0;
	[smem:$0x7FF] =	sst s3;
	s13 =	smul.u32 $0x13C0, s1  }
0x7: {  	s4 =	sadd.s32 $0x3400, s5;
	s17 =	sshll.u32 s1, $0x6;
	s6 =	smul.u32 $0x28000, s10  }
0x8: {  	_ =	strace $0x80000050;
	s9 =	ssub.s32 $0x2, s10;
	s14 =	smul.u32 $0x9E0, s10  }
0x9: {  	s17 =	sor.u32 $0x1C02, s17;
	s31 =	sshrl.u32 s9, $0x1;
	s8 =	sshrl.u32 s8, $0x2  }
0xa: {  	s12 =	sadd.s32 s13, s12;
	s13 =	simm.s32 $0x100;
	s6 =	sadd.s32 s7, s6  }
0xb: {  	s7 =	ssub.s32 s9, s31;
	s12 =	sadd.s32 s14, s12;
	s14 =	simm.s32 $0x2  }
0xc: {  	s6 =	sadd.s32 s6, s5;
	s5 =	sadd.s32 s8, s2;
	s7 =	smax.u32 s7, $0x1  }
0xd: {  	s6 =	sadd.s32 $0x53400, s6;
	s8 =	sadd.s32 $0x4000, s5;
	s9 =	sadd.s32 $0x8000, s5  }
0xe: {  	v0 =	vimm.f32 $0.0e+00;
	s10 =	sadd.s32 $0xC000, s5;
	s11 =	sadd.s32 $0x10000, s5;
	s18 =	sshrl.u32 s5, $0x3  }
.LBB2_1:
0xf: {  	s20 =	simm.s32 $0x0;
	s21 =	simm.s32 $0x200  }
.LBB2_2:
0x10: {  	p0 =	sne.s32 s21, $0xFE00;
	[tilespmem:s20+$0x170] =	vst v0  }
0x11: {  	[tilespmem:s20+$0x100] =	vst v0  }
0x12: {  	[tilespmem:s20+$0x110] =	vst v0  }
.Ltmp0:
0x13: {  	[tilespmem:s20+$0x120] =	vst v0;
	(pc) =	sbr.rel @p0 .LBB2_2-.Ltmp0, $4  }
0x14: {  	[tilespmem:s20+$0x130] =	vst v0  }
0x15: {  	[tilespmem:s20+$0x140] =	vst v0  }
0x16: {  	[tilespmem:s20+$0x150] =	vst v0  }
0x17: {  	[tilespmem:s20+$0x160] =	vst v0;
	s20 =	sshra.s32 s21, $0x2;
	s21 =	sadd.s32 $0x200, s21  }
0x18: {  	[tilespmem:s20+$0x170] =	vst v0  }
0x19: {  	[tilespmem:s20+$0x100] =	vst v0  }
0x1a: {  	[tilespmem:s20+$0x110] =	vst v0  }
0x1b: {  	[tilespmem:s20+$0x120] =	vst v0  }
0x1c: {  	[tilespmem:s20+$0x130] =	vst v0  }
0x1d: {  	[tilespmem:s20+$0x140] =	vst v0  }
0x1e: {  	[tilespmem:s20+$0x150] =	vst v0  }
0x1f: {  	[tilespmem:s20+$0x160] =	vst v0  }
0x20: {  	[spmem:s5] =	stream.linear.scatter [tilespmem:s13], [sflag:$0x2], $0x4000, $0x38;
	[tilespmem:$0x18100] =	vst v63  }
0x21: {  	_ =	swait.ge [sflag:s14], $0x4000  }
0x22: {  	[sflag:s14] =	ssyncset.done $0x0  }
0x23: {  	[sflag:s14] =	ssyncadd.s32 $0xFFFFC000  }
0x24: {  	[spmem:s8] =	stream.linear.scatter [tilespmem:s13], [sflag:$0x2], $0x4000, $0x38;
	[tilespmem:$0x18100] =	vst v63  }
0x25: {  	_ =	swait.ge [sflag:s14], $0x4000  }
0x26: {  	[sflag:s14] =	ssyncset.done $0x0  }
0x27: {  	[sflag:s14] =	ssyncadd.s32 $0xFFFFC000  }
0x28: {  	[spmem:s9] =	stream.linear.scatter [tilespmem:s13], [sflag:$0x2], $0x4000, $0x38;
	[tilespmem:$0x18100] =	vst v63  }
0x29: {  	_ =	swait.ge [sflag:s14], $0x4000  }
0x2a: {  	[sflag:s14] =	ssyncset.done $0x0  }
0x2b: {  	[sflag:s14] =	ssyncadd.s32 $0xFFFFC000  }
0x2c: {  	[spmem:s10] =	stream.linear.scatter [tilespmem:s13], [sflag:$0x2], $0x4000, $0x38;
	[tilespmem:$0x18100] =	vst v63  }
0x2d: {  	_ =	swait.ge [sflag:s14], $0x4000  }
0x2e: {  	[sflag:s14] =	ssyncset.done $0x0  }
0x2f: {  	[sflag:s14] =	ssyncadd.s32 $0xFFFFC000  }
0x30: {  	[spmem:s11] =	stream.linear.scatter [tilespmem:s13], [sflag:$0x2], $0x4000, $0x38;
	[tilespmem:$0x18100] =	vst v63  }
0x31: {  	_ =	swait.ge [sflag:s14], $0x4000  }
0x32: {  	[sflag:s14] =	ssyncset.done $0x0  }
0x33: {  	[sflag:s14] =	ssyncadd.s32 $0xFFFFC000  }
0x34: {  	s31 =	sadd.s32 $0x0, s12;
	[bflag:$0x0] =	sbarrier.arrive $0xFFFF  }
0x35: {  	[tilespmem:s3], [sflag:$0x2] =	stream.linear.gather [hbm4b:s31+s3], $0x100, $0x38;
	[tilespmem:$0x18100] =	vst v63  }
0x36: {  	_ =	swait.ge [sflag:s14], $0x100  }
0x37: {  	[sflag:s14] =	ssyncset.done $0x0  }
0x38: {  	[sflag:s14] =	ssyncadd.s32 $0xFFFFFF00  }
0x39: {  	[tilespmem:s13], [sflag:$0x1] =	stream.indirect.gather [hbm4b:s4+s15], $0x80, s3, s15, $0xb8;
	[tilespmem:$0x18100] =	vst v63  }
0x3a: {  	_ =	swait.ge [sflag:s16], $0x4000  }
0x3b: {  	[sflag:s16] =	ssyncset.done $0x0  }
0x3c: {  	[sflag:s16] =	ssyncadd.s32 $0xFFFFC000  }
0x3d: {  	[spmem:s2] =	stream.indirect.scatter.add.f32 [tilespmem:s13], [sflag:$0x2], $0x80, s15, s15, $0xb8;
	[tilespmem:$0x18100] =	vst v63  }
0x3e: {  	_ =	swait.ge [sflag:s14], $0x4000  }
0x3f: {  	s20 =	simm.s32 $0x20;
	s21 =	simm.s32 $0x40;
	[sflag:s14] =	ssyncset.done $0x0  }
.LBB2_4:
0x40: {  	s22 =	sadd.s32 s20, s12  }
0x41: {  	[sflag:s14] =	ssyncadd.s32 $0xFFFFC000;
	s20 =	smov.u32 s21;
	s23 =	sadd.s32 $0x20, s21  }
0x42: {  	[tilespmem:s3], [sflag:$0x2] =	stream.linear.gather [hbm4b:s22+s3], $0x100, $0x38;
	[tilespmem:$0x18100] =	vst v63  }
0x43: {  	p0 =	sne.s32 s21, $0x9C0;
	_ =	swait.ge [sflag:s14], $0x100  }
0x44: {  	[sflag:s14] =	ssyncset.done $0x0  }
0x45: {  	[sflag:s14] =	ssyncadd.s32 $0xFFFFFF00  }
0x46: {  	[tilespmem:s13], [sflag:$0x1] =	stream.indirect.gather [hbm4b:s4+s15], $0x80, s3, s15, $0xb8;
	[tilespmem:$0x18100] =	vst v63  }
0x47: {  	_ =	swait.ge [sflag:s16], $0x4000  }
.Ltmp1:
0x48: {  	[sflag:s16] =	ssyncset.done $0x0;
	(pc) =	sbr.rel @p0 .LBB2_4-.Ltmp1, $4  }
0x49: {  	[sflag:s16] =	ssyncadd.s32 $0xFFFFC000  }
0x4a: {  	[spmem:s2] =	stream.indirect.scatter.add.f32 [tilespmem:s13], [sflag:$0x2], $0x80, s15, s15, $0xb8;
	[tilespmem:$0x18100] =	vst v63  }
0x4b: {  	_ =	swait.ge [sflag:s14], $0x4000  }
0x4c: {  	s21 =	smov.u32 s23;
	[sflag:s14] =	ssyncset.done $0x0  }
0x4d: {  	s20 =	sadd.s32 s20, s12;
	[sflag:s14] =	ssyncadd.s32 $0xFFFFC000  }
0x4e: {  	[tilespmem:s3], [sflag:$0x2] =	stream.linear.gather [hbm4b:s20+s3], $0x100, $0x38;
	[tilespmem:$0x18100] =	vst v63  }
0x4f: {  	_ =	swait.ge [sflag:s14], $0x100  }
0x50: {  	[sflag:s14] =	ssyncset.done $0x0  }
0x51: {  	[sflag:s14] =	ssyncadd.s32 $0xFFFFFF00  }
0x52: {  	[tilespmem:s13], [sflag:$0x1] =	stream.indirect.gather [hbm4b:s4+s15], $0x80, s3, s15, $0xb8;
	[tilespmem:$0x18100] =	vst v63  }
0x53: {  	_ =	swait.ge [sflag:s16], $0x4000  }
0x54: {  	[sflag:s16] =	ssyncset.done $0x0  }
0x55: {  	[sflag:s16] =	ssyncadd.s32 $0xFFFFC000  }
0x56: {  	[spmem:s2] =	stream.indirect.scatter.add.f32 [tilespmem:s13], [sflag:$0x2], $0x80, s15, s15, $0xb8;
	[tilespmem:$0x18100] =	vst v63  }
0x57: {  	_ =	swait.ge [sflag:s14], $0x4000  }
0x58: {  	s19 =	sadd.s32 $0x1, s19;
	[sflag:s14] =	ssyncset.done $0x0  }
0x59: {  	p0 =	sne.s32 s19, s7;
	[sflag:s14] =	ssyncadd.s32 $0xFFFFC000  }
.Ltmp2:
0x5a: {  	[bflag:$0x0] =	sbarrier.arrive $0xFFFF;
	(pc) =	sbr.rel @p0 .LBB2_1-.Ltmp2, $4  }
0x5b: {  	[hbm:s6], [sflag:s17] =	dma.local [spmem:s18], $0x2800  }
0x5c: {  	_ =	swait.ge [sflag:s14], $0x2800  }
0x5d: {  	[sflag:s14] =	ssyncset.done $0x0  }
0x5e: {  	[sflag:s14] =	ssyncadd.s32 $0xFFFFD800  }
0x5f: {  	_ =	sfence.sel $0x180000  }
0x60: {  	[bflag:$0x0] =	sbarrier.arrive $0xFFFF  }
0x61: {  	p0 =	sne.s32 s1, $0x0;
	_ =	strace $0x90000050  }
0x62: {  	s0 =	sadd.s32 @!p0 $0x100000, s0;
	[bflag:$0x2] =	sbarrier.arrive $0xFFFF  }
0x63: {  	[sflag:s0] =	ssyncadd.tile.s32 @!p0 $0x1;
	_ =	shalt  }
.Lfunc_end2:
_tile_overlayer_lowered:
.L_overlay_start_2:
0x64: {  	(tag) =	ssettag $0x2  }
0x65: {  	s0 =	rddreg [dreg:$0x0];
	s2 =	stileid.u32  }
0x66: {  	s1 =	rddreg [dreg:$0x1];
	p0 =	sne.s32 s2, $0x0  }
0x67: {  	s3 =	rddreg [dreg:$0x2];
	[bflag:$0x3] =	sbarrier.arrive $0xFFFF;
	s2 =	simm.s32 @!p0 $0x1C02  }
0x68: {  	[timem:s3], [sflag:s2] =	dma.local @!p0 [hbm:s0], s1  }
0x69: {  	s0 =	simm.s32 @!p0 $0x2  }
0x6a: {  	_ =	swait.ge @!p0 [sflag:s0], s1  }
0x6b: {  	s1 =	ssub.s32 @!p0 $0x0, s1;
	[sflag:s0] =	ssyncset.done @!p0 $0x0  }
0x6c: {  	[sflag:s0] =	ssyncadd.s32 @!p0 s1  }
0x6d: {  	[bflag:$0x3] =	sbarrier.arrive $0xFFFF  }
0x6e: {  	_ =	shalt  }

</sc_bundles>
